<compile_context>
chip_gen: v7x
topology: tpu7x:2x2x1
jax: 0.10.2.dev20260603
libtpu: 0.0.44.dev20260713+nightly
codegen_flags: <defaults>
</compile_context>

<pallas_src>
import functools

import jax
import jax.numpy as jnp
from jax import lax
from jax.experimental import pallas as pl
from jax.experimental.pallas import tpu as pltpu
from jax.experimental.pallas import tpu_sc as plsc

N_USERS = 50000
EMB = 128
B = 1024
L = 32

NW = 32
ROWS = B * L
CH = 128
N_CHUNKS = ROWS // NW // CH


@functools.cache
def _make_gather(n_chunks):
    rows = NW * n_chunks * CH
    rows_per_w = n_chunks * CH
    mesh = plsc.VectorSubcoreMesh(core_axis_name="c", subcore_axis_name="s")

    @functools.partial(
        pl.kernel,
        mesh=mesh,
        out_type=[
            jax.ShapeDtypeStruct((rows, EMB), jnp.float32),
            jax.ShapeDtypeStruct((rows, EMB), jnp.float32),
        ],
        scratch_types=[
            pltpu.VMEM((n_chunks, CH), jnp.int32),
            pltpu.VMEM((3, CH, EMB), jnp.float32),
            pltpu.VMEM((3, CH, EMB), jnp.float32),
        ] + [pltpu.SemaphoreType.DMA] * 12,
    )
    def gather_k(emb_hbm, prof_hbm, idx_hbm, out_e, out_p,
                 idx_v, buf_e, buf_p, *sems):
        gsem_e, gsem_p, wsem_e, wsem_p = sems[0:3], sems[3:6], sems[6:9], sems[9:12]
        wid = lax.axis_index("s") * 2 + lax.axis_index("c")
        pltpu.sync_copy(idx_hbm.at[wid], idx_v)
        base = wid * rows_per_w

        gathers = {}
        writes = {}

        def issue_gather(c):
            b = c % 3
            gathers[c] = (
                pltpu.async_copy(emb_hbm.at[idx_v.at[c]], buf_e.at[b], gsem_e[b]),
                pltpu.async_copy(prof_hbm.at[idx_v.at[c]], buf_p.at[b], gsem_p[b]),
            )

        def issue_write(c):
            b = c % 3
            row0 = base + c * CH
            writes[c] = (
                pltpu.async_copy(buf_e.at[b], out_e.at[pl.ds(row0, CH)], wsem_e[b]),
                pltpu.async_copy(buf_p.at[b], out_p.at[pl.ds(row0, CH)], wsem_p[b]),
            )

        issue_gather(0)
        for c in range(n_chunks):
            if c + 1 < n_chunks:
                if c - 2 >= 0:
                    for w in writes[c - 2]:
                        w.wait()
                issue_gather(c + 1)
            for g in gathers[c]:
                g.wait()
            issue_write(c)
        for c in range(max(0, n_chunks - 3), n_chunks):
            for w in writes[c]:
                w.wait()

    return gather_k


def _mlp_body(ge_ref, gp_ref, i_ref, u_ref, wf_ref, bf_ref, wc1a_ref,
              wc1b_ref, bc1_ref, wc2_ref, bc2_ref, ones_ref,
              comb_ref, att_ref):
    BB = i_ref.shape[0]
    bf16 = jnp.bfloat16
    x = jnp.concatenate([ge_ref[...], gp_ref[...]], axis=-1).astype(bf16)
    h0 = jnp.dot(x, wf_ref[...], preferred_element_type=jnp.float32)
    h0 = jnp.maximum(h0 + bf_ref[...], 0.0)

    iterm = jnp.dot(i_ref[...].astype(bf16), wc1b_ref[...],
                    preferred_element_type=jnp.float32)
    iterm = iterm + bc1_ref[...]
    iterm3 = jnp.broadcast_to(iterm[:, None, :], (BB, L, EMB))
    c1 = jnp.dot(h0.astype(bf16), wc1a_ref[...],
                 preferred_element_type=jnp.float32)
    c1 = jnp.maximum(c1 + iterm3.reshape(BB * L, EMB), 0.0)

    c2 = jnp.dot(c1.astype(bf16), wc2_ref[...],
                 preferred_element_type=jnp.float32)
    c2 = jnp.maximum(c2 + bc2_ref[...], 0.0)

    us = u_ref[...] * (1.0 / (EMB ** 0.5))
    u3 = jnp.broadcast_to(us[:, None, :], (BB, L, EMB)).reshape(BB * L, EMB)
    v = (c2 * u3).astype(bf16)
    s_b = jnp.dot(v, ones_ref[...], preferred_element_type=jnp.float32)
    s3 = s_b.reshape(BB, L, EMB)
    m = jnp.max(s3, axis=1, keepdims=True)
    e = jnp.exp(s3 - m)
    den = jnp.sum(e, axis=1, keepdims=True)
    att3 = e / den
    comb_ref[...] = jnp.sum(c2.reshape(BB, L, EMB) * att3, axis=1)
    att_ref[...] = att3[:, :, 0]


def _mlp_att(ge, gp, i_embs, u_embs, wf, b_f, wc1a, wc1b, b_c1, wc2, b_c2,
             ones_b):
    bh = i_embs.shape[0]
    BB = 256 if bh % 256 == 0 else 128
    grid = (bh // BB,)
    full = lambda i: (0, 0)
    blk = lambda i: (i, 0)
    return pl.pallas_call(
        _mlp_body,
        grid=grid,
        in_specs=[
            pl.BlockSpec((BB * L, EMB), blk),
            pl.BlockSpec((BB * L, EMB), blk),
            pl.BlockSpec((BB, EMB), blk),
            pl.BlockSpec((BB, EMB), blk),
            pl.BlockSpec((2 * EMB, EMB), full),
            pl.BlockSpec((1, EMB), full),
            pl.BlockSpec((EMB, EMB), full),
            pl.BlockSpec((EMB, EMB), full),
            pl.BlockSpec((1, EMB), full),
            pl.BlockSpec((EMB, EMB), full),
            pl.BlockSpec((1, EMB), full),
            pl.BlockSpec((EMB, EMB), full),
        ],
        out_specs=[
            pl.BlockSpec((BB, EMB), blk),
            pl.BlockSpec((BB, L), blk),
        ],
        out_shape=[
            jax.ShapeDtypeStruct((bh, EMB), jnp.float32),
            jax.ShapeDtypeStruct((bh, L), jnp.float32),
        ],
    )(ge, gp, i_embs, u_embs, wf, b_f, wc1a, wc1b, b_c1, wc2, b_c2, ones_b)


SPLITS = (4, 4)


def kernel(users, u_embs, items, i_embs, act_users, user_embs_weight,
           user_profiles, W_f, b_f, W_c1, b_c1, W_c2, b_c2):
    idx_flat = act_users.astype(jnp.int32).reshape(-1)
    gathered = []
    bounds = []
    row0 = 0
    for nc in SPLITS:
        rows = NW * nc * CH
        idx_h = lax.dynamic_slice(idx_flat, (row0,), (rows,)).reshape(
            NW, nc, CH)
        gathered.append(_make_gather(nc)(user_embs_weight, user_profiles,
                                         idx_h))
        bounds.append((row0 // L, rows // L))
        row0 += rows
    bf16 = jnp.bfloat16
    wf = W_f.astype(bf16)
    wc1a = W_c1[:EMB].astype(bf16)
    wc1b = W_c1[EMB:].astype(bf16)
    wc2 = W_c2.astype(bf16)
    ones_b = jnp.ones((EMB, EMB), bf16)
    bf = b_f.reshape(1, EMB)
    bc1 = b_c1.reshape(1, EMB)
    bc2 = b_c2.reshape(1, EMB)
    outs = [
        _mlp_att(ge, gp, i_embs[b0:b0 + nb], u_embs[b0:b0 + nb],
                 wf, bf, wc1a, wc1b, bc1, wc2, bc2, ones_b)
        for (ge, gp), (b0, nb) in zip(gathered, bounds)
    ]
    comb = jnp.concatenate([c for c, _ in outs])
    att = jnp.concatenate([a for _, a in outs])
    return comb, att[..., None]

# --- scband reference (transcript-rebuilt; emitter-appended) ---
"""Pipeline reference for scband-influence-prop-40656160424468 (READ-ONLY COPY).

The authoritative reference and input builder live on the scoring server;
editing this copy changes nothing except your own understanding.
"""

import jax, jax.numpy as jnp
import numpy as np

N_USERS = 50000
EMB = 128
B = 1024
L = 32


def setup_inputs(seed: int = 0) -> dict:
    key = jax.random.key(seed)
    ks = jax.random.split(key, 12)
    users = jax.random.randint(ks[0], (B,), 0, N_USERS, dtype=jnp.int64) if jax.config.jax_enable_x64 else jax.random.randint(ks[0], (B,), 0, N_USERS)
    items = jax.random.randint(ks[1], (B,), 0, N_USERS)
    act_users = jax.random.randint(ks[2], (B, L), 0, N_USERS)
    u_embs = jax.random.normal(ks[3], (B, EMB), dtype=jnp.float32)
    i_embs = jax.random.normal(ks[4], (B, EMB), dtype=jnp.float32)
    user_embs_weight = jax.random.normal(ks[5], (N_USERS, EMB), dtype=jnp.float32) * 0.1
    user_profiles = jax.random.normal(ks[6], (N_USERS, EMB), dtype=jnp.float32) * 0.1
    s = 1.0 / np.sqrt(2 * EMB)
    s2 = 1.0 / np.sqrt(EMB)
    W_f = jax.random.uniform(ks[7], (2 * EMB, EMB), jnp.float32, -s, s)
    b_f = jnp.zeros((EMB,), jnp.float32)
    W_c1 = jax.random.uniform(ks[8], (2 * EMB, EMB), jnp.float32, -s, s)
    b_c1 = jnp.zeros((EMB,), jnp.float32)
    W_c2 = jax.random.uniform(ks[9], (EMB, EMB), jnp.float32, -s2, s2)
    b_c2 = jnp.zeros((EMB,), jnp.float32)
    return {
        "users": users, "u_embs": u_embs, "items": items, "i_embs": i_embs,
        "act_users": act_users, "user_embs_weight": user_embs_weight,
        "user_profiles": user_profiles, "W_f": W_f, "b_f": b_f,
        "W_c1": W_c1, "b_c1": b_c1, "W_c2": W_c2, "b_c2": b_c2,
    }


def reference(users, u_embs, items, i_embs, act_users, user_embs_weight,
              user_profiles, W_f, b_f, W_c1, b_c1, W_c2, b_c2):
    # fusion(user_embs.weight[x], user_profiles[x]): gather + concat + linear + relu
    act_emb = jnp.take(user_embs_weight, act_users, axis=0)   # [B, L, EMB]
    act_prof = jnp.take(user_profiles, act_users, axis=0)     # [B, L, EMB]
    fused = jax.nn.relu(jnp.concatenate([act_emb, act_prof], axis=-1) @ W_f + b_f)  # [B, L, EMB]
    # coupling_fea: concat fused with the item's embedding repeated over neighbors
    i_rep = jnp.broadcast_to(i_embs[:, None, :], (B, L, EMB))
    coupling = jnp.concatenate([fused, i_rep], axis=-1)        # [B, L, 2*EMB]
    c1 = jax.nn.relu(coupling @ W_c1 + b_c1)                   # [B, L, EMB]
    c2 = jax.nn.relu(c1 @ W_c2 + b_c2)                         # [B, L, EMB]
    # att(u_embs[idx], coupling_fea[idx], n): scaled-dot attention over the n neighbors
    scores = jnp.einsum('ble,be->bl', c2, u_embs) / jnp.sqrt(float(EMB))
    attention = jax.nn.softmax(scores, axis=-1)                # [B, L]
    # neigh_feature_matrix_coupling = coupling_fea^T @ attention  -> [B, EMB]
    combined_feature = jnp.einsum('ble,bl->be', c2, attention)
    return combined_feature, attention[..., None]

if __name__ == "__main__":
    import jax
    _d = setup_inputs()
    print(jax.jit(kernel)(*tuple(_d.values())))

</pallas_src>

<mosaic_0001>
#map = affine_map<(d0, d1) -> (0, 0)>
#map1 = affine_map<(d0, d1) -> (0, 0, 0)>
module attributes {stable_mosaic.version = 14 : i64} {
  func.func @gather_k(%arg0: i32, %arg1: i32, %arg2: memref<50000x128xf32, #tpu.memory_space<hbm>>, %arg3: memref<50000x128xf32, #tpu.memory_space<hbm>>, %arg4: memref<32x4x128xi32, #tpu.memory_space<hbm>>, %arg5: memref<16384x128xf32, #tpu.memory_space<hbm>>, %arg6: memref<16384x128xf32, #tpu.memory_space<hbm>>, %arg7: memref<4x128xi32, #tpu.memory_space<vmem>>, %arg8: memref<3x128x128xf32, #tpu.memory_space<vmem>>, %arg9: memref<3x128x128xf32, #tpu.memory_space<vmem>>, %arg10: memref<!tpu.dma_semaphore, #tpu.memory_space<semaphore_mem>>, %arg11: memref<!tpu.dma_semaphore, #tpu.memory_space<semaphore_mem>>, %arg12: memref<!tpu.dma_semaphore, #tpu.memory_space<semaphore_mem>>, %arg13: memref<!tpu.dma_semaphore, #tpu.memory_space<semaphore_mem>>, %arg14: memref<!tpu.dma_semaphore, #tpu.memory_space<semaphore_mem>>, %arg15: memref<!tpu.dma_semaphore, #tpu.memory_space<semaphore_mem>>, %arg16: memref<!tpu.dma_semaphore, #tpu.memory_space<semaphore_mem>>, %arg17: memref<!tpu.dma_semaphore, #tpu.memory_space<semaphore_mem>>, %arg18: memref<!tpu.dma_semaphore, #tpu.memory_space<semaphore_mem>>, %arg19: memref<!tpu.dma_semaphore, #tpu.memory_space<semaphore_mem>>, %arg20: memref<!tpu.dma_semaphore, #tpu.memory_space<semaphore_mem>>, %arg21: memref<!tpu.dma_semaphore, #tpu.memory_space<semaphore_mem>>) attributes {dimension_semantics = [#tpu.dimension_semantics<core_parallel>, #tpu.dimension_semantics<subcore_parallel>], iteration_bounds = array<i64: 2, 16>, scalar_prefetch = 0 : i64, scratch_operands = 15 : i64, tpu.core_type = #tpu.core_type<sc_vector_subcore>, window_params = [{transform_indices = #map}, {transform_indices = #map}, {transform_indices = #map1}, {transform_indices = #map}, {transform_indices = #map}]} {
    %mul3A = arith.constant 2 : i32
    %mul3A_0 = arith.muli %arg1, %mul3A : i32
    %add3A = arith.addi %mul3A_0, %arg0 : i32
    "tpu.region"() ({
      %run_scoped3A = tpu.sem_alloc : memref<!tpu.dma_semaphore, #tpu.memory_space<semaphore_mem>>
      %dma_start3A_409 = arith.constant 0 : i32
      %dma_start3A_410 = arith.constant 0 : i32
      %dma_start3A_411 = tpu.memref_slice %arg4[%add3A, %dma_start3A_409, %dma_start3A_410] : memref<32x4x128xi32, #tpu.memory_space<hbm>> -> memref<1x4x128xi32, #tpu.memory_space<hbm>>
      %dma_start3A_412 = tpu.memref_squeeze %dma_start3A_411 : memref<1x4x128xi32, #tpu.memory_space<hbm>> -> memref<4x128xi32, #tpu.memory_space<hbm>>
      %dma_start3A_413 = arith.constant 0 : i32
      %dma_start3A_414 = arith.constant 0 : i32
      %dma_start3A_415 = tpu.memref_slice %arg4[%add3A, %dma_start3A_413, %dma_start3A_414] : memref<32x4x128xi32, #tpu.memory_space<hbm>> -> memref<1x4x128xi32, #tpu.memory_space<hbm>>
      %dma_start3A_416 = tpu.memref_squeeze %dma_start3A_415 : memref<1x4x128xi32, #tpu.memory_space<hbm>> -> memref<4x128xi32, #tpu.memory_space<hbm>>
      tpu.enqueue_dma source(%dma_start3A_416 : memref<4x128xi32, #tpu.memory_space<hbm>>) target(%arg7 : memref<4x128xi32, #tpu.memory_space<vmem>>) target_semaphore(%run_scoped3A : memref<!tpu.dma_semaphore, #tpu.memory_space<semaphore_mem>>)
      %dma_wait3A_417 = arith.constant 0 : i32
      %dma_wait3A_418 = arith.constant 0 : i32
      %dma_wait3A_419 = tpu.memref_slice %arg4[%add3A, %dma_wait3A_417, %dma_wait3A_418] : memref<32x4x128xi32, #tpu.memory_space<hbm>> -> memref<1x4x128xi32, #tpu.memory_space<hbm>>
      %dma_wait3A_420 = tpu.memref_squeeze %dma_wait3A_419 : memref<1x4x128xi32, #tpu.memory_space<hbm>> -> memref<4x128xi32, #tpu.memory_space<hbm>>
      %dma_wait3A_421 = arith.constant 0 : i32
      %dma_wait3A_422 = arith.constant 0 : i32
      %dma_wait3A_423 = tpu.memref_slice %arg4[%add3A, %dma_wait3A_421, %dma_wait3A_422] : memref<32x4x128xi32, #tpu.memory_space<hbm>> -> memref<1x4x128xi32, #tpu.memory_space<hbm>>
      %dma_wait3A_424 = tpu.memref_squeeze %dma_wait3A_423 : memref<1x4x128xi32, #tpu.memory_space<hbm>> -> memref<4x128xi32, #tpu.memory_space<hbm>>
      tpu.wait_dma2 semaphore(%run_scoped3A : memref<!tpu.dma_semaphore, #tpu.memory_space<semaphore_mem>>) src(%dma_wait3A_424 : memref<4x128xi32, #tpu.memory_space<hbm>>) dst(%arg7 : memref<4x128xi32, #tpu.memory_space<vmem>>)
      tpu.yield
    }) : () -> ()
    %mul3A_1 = arith.constant 512 : i32
    %mul3A_2 = arith.muli %add3A, %mul3A_1 : i32
    %dma_start3A = arith.constant 0 : i32
    %dma_start3A_3 = arith.constant 0 : i32
    %dma_start3A_4 = arith.constant 0 : i32
    %dma_start3A_5 = arith.constant 0 : i32
    %dma_start3A_6 = tpu.memref_slice %arg8[%dma_start3A_3, %dma_start3A_4, %dma_start3A_5] : memref<3x128x128xf32, #tpu.memory_space<vmem>> -> memref<1x128x128xf32, #tpu.memory_space<vmem>>
    %dma_start3A_7 = tpu.memref_squeeze %dma_start3A_6 : memref<1x128x128xf32, #tpu.memory_space<vmem>> -> memref<128x128xf32, #tpu.memory_space<vmem>>
    %dma_start3A_8 = arith.constant 0 : i32
    %dma_start3A_9 = tpu.memref_slice %arg7[%dma_start3A, %dma_start3A_8] : memref<4x128xi32, #tpu.memory_space<vmem>> -> memref<1x128xi32, #tpu.memory_space<vmem>>
    %dma_start3A_10 = tpu.memref_squeeze %dma_start3A_9 : memref<1x128xi32, #tpu.memory_space<vmem>> -> memref<128xi32, #tpu.memory_space<vmem>>
    %dma_start3A_11 = arith.constant 0 : i32
    %dma_start3A_12 = arith.constant 0 : i32
    %dma_start3A_13 = tpu.memref_slice %arg2[%dma_start3A_11, %dma_start3A_12] : memref<50000x128xf32, #tpu.memory_space<hbm>> -> memref<50000x128xf32, #tpu.memory_space<hbm>>
    tpu.enqueue_indirect_dma source(%dma_start3A_13 : memref<50000x128xf32, #tpu.memory_space<hbm>>) target(%dma_start3A_7 : memref<128x128xf32, #tpu.memory_space<vmem>>) offsets(%dma_start3A_10 : memref<128xi32, #tpu.memory_space<vmem>>) semaphore(%arg10 : memref<!tpu.dma_semaphore, #tpu.memory_space<semaphore_mem>>)
    %dma_start3A_14 = arith.constant 0 : i32
    %dma_start3A_15 = arith.constant 0 : i32
    %dma_start3A_16 = arith.constant 0 : i32
    %dma_start3A_17 = arith.constant 0 : i32
    %dma_start3A_18 = tpu.memref_slice %arg9[%dma_start3A_15, %dma_start3A_16, %dma_start3A_17] : memref<3x128x128xf32, #tpu.memory_space<vmem>> -> memref<1x128x128xf32, #tpu.memory_space<vmem>>
    %dma_start3A_19 = tpu.memref_squeeze %dma_start3A_18 : memref<1x128x128xf32, #tpu.memory_space<vmem>> -> memref<128x128xf32, #tpu.memory_space<vmem>>
    %dma_start3A_20 = arith.constant 0 : i32
    %dma_start3A_21 = tpu.memref_slice %arg7[%dma_start3A_14, %dma_start3A_20] : memref<4x128xi32, #tpu.memory_space<vmem>> -> memref<1x128xi32, #tpu.memory_space<vmem>>
    %dma_start3A_22 = tpu.memref_squeeze %dma_start3A_21 : memref<1x128xi32, #tpu.memory_space<vmem>> -> memref<128xi32, #tpu.memory_space<vmem>>
    %dma_start3A_23 = arith.constant 0 : i32
    %dma_start3A_24 = arith.constant 0 : i32
    %dma_start3A_25 = tpu.memref_slice %arg3[%dma_start3A_23, %dma_start3A_24] : memref<50000x128xf32, #tpu.memory_space<hbm>> -> memref<50000x128xf32, #tpu.memory_space<hbm>>
    tpu.enqueue_indirect_dma source(%dma_start3A_25 : memref<50000x128xf32, #tpu.memory_space<hbm>>) target(%dma_start3A_19 : memref<128x128xf32, #tpu.memory_space<vmem>>) offsets(%dma_start3A_22 : memref<128xi32, #tpu.memory_space<vmem>>) semaphore(%arg13 : memref<!tpu.dma_semaphore, #tpu.memory_space<semaphore_mem>>)
    %dma_start3A_26 = arith.constant 1 : i32
    %dma_start3A_27 = arith.constant 1 : i32
    %dma_start3A_28 = arith.constant 0 : i32
    %dma_start3A_29 = arith.constant 0 : i32
    %dma_start3A_30 = tpu.memref_slice %arg8[%dma_start3A_27, %dma_start3A_28, %dma_start3A_29] : memref<3x128x128xf32, #tpu.memory_space<vmem>> -> memref<1x128x128xf32, #tpu.memory_space<vmem>>
    %dma_start3A_31 = tpu.memref_squeeze %dma_start3A_30 : memref<1x128x128xf32, #tpu.memory_space<vmem>> -> memref<128x128xf32, #tpu.memory_space<vmem>>
    %dma_start3A_32 = arith.constant 0 : i32
    %dma_start3A_33 = tpu.memref_slice %arg7[%dma_start3A_26, %dma_start3A_32] : memref<4x128xi32, #tpu.memory_space<vmem>> -> memref<1x128xi32, #tpu.memory_space<vmem>>
    %dma_start3A_34 = tpu.memref_squeeze %dma_start3A_33 : memref<1x128xi32, #tpu.memory_space<vmem>> -> memref<128xi32, #tpu.memory_space<vmem>>
    %dma_start3A_35 = arith.constant 0 : i32
    %dma_start3A_36 = arith.constant 0 : i32
    %dma_start3A_37 = tpu.memref_slice %arg2[%dma_start3A_35, %dma_start3A_36] : memref<50000x128xf32, #tpu.memory_space<hbm>> -> memref<50000x128xf32, #tpu.memory_space<hbm>>
    tpu.enqueue_indirect_dma source(%dma_start3A_37 : memref<50000x128xf32, #tpu.memory_space<hbm>>) target(%dma_start3A_31 : memref<128x128xf32, #tpu.memory_space<vmem>>) offsets(%dma_start3A_34 : memref<128xi32, #tpu.memory_space<vmem>>) semaphore(%arg11 : memref<!tpu.dma_semaphore, #tpu.memory_space<semaphore_mem>>)
    %dma_start3A_38 = arith.constant 1 : i32
    %dma_start3A_39 = arith.constant 1 : i32
    %dma_start3A_40 = arith.constant 0 : i32
    %dma_start3A_41 = arith.constant 0 : i32
    %dma_start3A_42 = tpu.memref_slice %arg9[%dma_start3A_39, %dma_start3A_40, %dma_start3A_41] : memref<3x128x128xf32, #tpu.memory_space<vmem>> -> memref<1x128x128xf32, #tpu.memory_space<vmem>>
    %dma_start3A_43 = tpu.memref_squeeze %dma_start3A_42 : memref<1x128x128xf32, #tpu.memory_space<vmem>> -> memref<128x128xf32, #tpu.memory_space<vmem>>
    %dma_start3A_44 = arith.constant 0 : i32
    %dma_start3A_45 = tpu.memref_slice %arg7[%dma_start3A_38, %dma_start3A_44] : memref<4x128xi32, #tpu.memory_space<vmem>> -> memref<1x128xi32, #tpu.memory_space<vmem>>
    %dma_start3A_46 = tpu.memref_squeeze %dma_start3A_45 : memref<1x128xi32, #tpu.memory_space<vmem>> -> memref<128xi32, #tpu.memory_space<vmem>>
    %dma_start3A_47 = arith.constant 0 : i32
    %dma_start3A_48 = arith.constant 0 : i32
    %dma_start3A_49 = tpu.memref_slice %arg3[%dma_start3A_47, %dma_start3A_48] : memref<50000x128xf32, #tpu.memory_space<hbm>> -> memref<50000x128xf32, #tpu.memory_space<hbm>>
    tpu.enqueue_indirect_dma source(%dma_start3A_49 : memref<50000x128xf32, #tpu.memory_space<hbm>>) target(%dma_start3A_43 : memref<128x128xf32, #tpu.memory_space<vmem>>) offsets(%dma_start3A_46 : memref<128xi32, #tpu.memory_space<vmem>>) semaphore(%arg14 : memref<!tpu.dma_semaphore, #tpu.memory_space<semaphore_mem>>)
    %dma_wait3A = arith.constant 0 : i32
    %dma_wait3A_50 = arith.constant 0 : i32
    %dma_wait3A_51 = arith.constant 0 : i32
    %dma_wait3A_52 = arith.constant 0 : i32
    %dma_wait3A_53 = tpu.memref_slice %arg8[%dma_wait3A_50, %dma_wait3A_51, %dma_wait3A_52] : memref<3x128x128xf32, #tpu.memory_space<vmem>> -> memref<1x128x128xf32, #tpu.memory_space<vmem>>
    %dma_wait3A_54 = tpu.memref_squeeze %dma_wait3A_53 : memref<1x128x128xf32, #tpu.memory_space<vmem>> -> memref<128x128xf32, #tpu.memory_space<vmem>>
    %dma_wait3A_55 = arith.constant 0 : i32
    %dma_wait3A_56 = tpu.memref_slice %arg7[%dma_wait3A, %dma_wait3A_55] : memref<4x128xi32, #tpu.memory_space<vmem>> -> memref<1x128xi32, #tpu.memory_space<vmem>>
    %dma_wait3A_57 = tpu.memref_squeeze %dma_wait3A_56 : memref<1x128xi32, #tpu.memory_space<vmem>> -> memref<128xi32, #tpu.memory_space<vmem>>
    %dma_wait3A_58 = arith.constant 0 : i32
    %dma_wait3A_59 = arith.constant 0 : i32
    %dma_wait3A_60 = tpu.memref_slice %arg2[%dma_wait3A_58, %dma_wait3A_59] : memref<50000x128xf32, #tpu.memory_space<hbm>> -> memref<50000x128xf32, #tpu.memory_space<hbm>>
    tpu.wait_indirect_dma semaphore(%arg10 : memref<!tpu.dma_semaphore, #tpu.memory_space<semaphore_mem>>) src(%dma_wait3A_60 : memref<50000x128xf32, #tpu.memory_space<hbm>>) dst(%dma_wait3A_54 : memref<128x128xf32, #tpu.memory_space<vmem>>)
    %dma_wait3A_61 = arith.constant 0 : i32
    %dma_wait3A_62 = arith.constant 0 : i32
    %dma_wait3A_63 = arith.constant 0 : i32
    %dma_wait3A_64 = arith.constant 0 : i32
    %dma_wait3A_65 = tpu.memref_slice %arg9[%dma_wait3A_62, %dma_wait3A_63, %dma_wait3A_64] : memref<3x128x128xf32, #tpu.memory_space<vmem>> -> memref<1x128x128xf32, #tpu.memory_space<vmem>>
    %dma_wait3A_66 = tpu.memref_squeeze %dma_wait3A_65 : memref<1x128x128xf32, #tpu.memory_space<vmem>> -> memref<128x128xf32, #tpu.memory_space<vmem>>
    %dma_wait3A_67 = arith.constant 0 : i32
    %dma_wait3A_68 = tpu.memref_slice %arg7[%dma_wait3A_61, %dma_wait3A_67] : memref<4x128xi32, #tpu.memory_space<vmem>> -> memref<1x128xi32, #tpu.memory_space<vmem>>
    %dma_wait3A_69 = tpu.memref_squeeze %dma_wait3A_68 : memref<1x128xi32, #tpu.memory_space<vmem>> -> memref<128xi32, #tpu.memory_space<vmem>>
    %dma_wait3A_70 = arith.constant 0 : i32
    %dma_wait3A_71 = arith.constant 0 : i32
    %dma_wait3A_72 = tpu.memref_slice %arg3[%dma_wait3A_70, %dma_wait3A_71] : memref<50000x128xf32, #tpu.memory_space<hbm>> -> memref<50000x128xf32, #tpu.memory_space<hbm>>
    tpu.wait_indirect_dma semaphore(%arg13 : memref<!tpu.dma_semaphore, #tpu.memory_space<semaphore_mem>>) src(%dma_wait3A_72 : memref<50000x128xf32, #tpu.memory_space<hbm>>) dst(%dma_wait3A_66 : memref<128x128xf32, #tpu.memory_space<vmem>>)
    %add3A_73 = arith.constant 0 : i32
    %add3A_74 = arith.addi %mul3A_2, %add3A_73 : i32
    %dma_start3A_75 = arith.constant 0 : i32
    %dma_start3A_76 = arith.constant 0 : i32
    %dma_start3A_77 = arith.constant 0 : i32
    %dma_start3A_78 = tpu.memref_slice %arg8[%dma_start3A_75, %dma_start3A_76, %dma_start3A_77] : memref<3x128x128xf32, #tpu.memory_space<vmem>> -> memref<1x128x128xf32, #tpu.memory_space<vmem>>
    %dma_start3A_79 = tpu.memref_squeeze %dma_start3A_78 : memref<1x128x128xf32, #tpu.memory_space<vmem>> -> memref<128x128xf32, #tpu.memory_space<vmem>>
    %dma_start3A_80 = arith.constant 0 : i32
    %dma_start3A_81 = tpu.memref_slice %arg5[%add3A_74, %dma_start3A_80] : memref<16384x128xf32, #tpu.memory_space<hbm>> -> memref<128x128xf32, #tpu.memory_space<hbm>>
    %dma_start3A_82 = arith.constant 0 : i32
    %dma_start3A_83 = tpu.memref_slice %arg5[%add3A_74, %dma_start3A_82] : memref<16384x128xf32, #tpu.memory_space<hbm>> -> memref<128x128xf32, #tpu.memory_space<hbm>>
    %dma_start3A_84 = arith.constant 0 : i32
    %dma_start3A_85 = arith.constant 0 : i32
    %dma_start3A_86 = tpu.memref_slice %arg8[%dma_start3A_75, %dma_start3A_84, %dma_start3A_85] : memref<3x128x128xf32, #tpu.memory_space<vmem>> -> memref<1x128x128xf32, #tpu.memory_space<vmem>>
    %dma_start3A_87 = tpu.memref_squeeze %dma_start3A_86 : memref<1x128x128xf32, #tpu.memory_space<vmem>> -> memref<128x128xf32, #tpu.memory_space<vmem>>
    tpu.enqueue_dma source(%dma_start3A_87 : memref<128x128xf32, #tpu.memory_space<vmem>>) target(%dma_start3A_83 : memref<128x128xf32, #tpu.memory_space<hbm>>) target_semaphore(%arg16 : memref<!tpu.dma_semaphore, #tpu.memory_space<semaphore_mem>>)
    %dma_start3A_88 = arith.constant 0 : i32
    %dma_start3A_89 = arith.constant 0 : i32
    %dma_start3A_90 = arith.constant 0 : i32
    %dma_start3A_91 = tpu.memref_slice %arg9[%dma_start3A_88, %dma_start3A_89, %dma_start3A_90] : memref<3x128x128xf32, #tpu.memory_space<vmem>> -> memref<1x128x128xf32, #tpu.memory_space<vmem>>
    %dma_start3A_92 = tpu.memref_squeeze %dma_start3A_91 : memref<1x128x128xf32, #tpu.memory_space<vmem>> -> memref<128x128xf32, #tpu.memory_space<vmem>>
    %dma_start3A_93 = arith.constant 0 : i32
    %dma_start3A_94 = tpu.memref_slice %arg6[%add3A_74, %dma_start3A_93] : memref<16384x128xf32, #tpu.memory_space<hbm>> -> memref<128x128xf32, #tpu.memory_space<hbm>>
    %dma_start3A_95 = arith.constant 0 : i32
    %dma_start3A_96 = tpu.memref_slice %arg6[%add3A_74, %dma_start3A_95] : memref<16384x128xf32, #tpu.memory_space<hbm>> -> memref<128x128xf32, #tpu.memory_space<hbm>>
    %dma_start3A_97 = arith.constant 0 : i32
    %dma_start3A_98 = arith.constant 0 : i32
    %dma_start3A_99 = tpu.memref_slice %arg9[%dma_start3A_88, %dma_start3A_97, %dma_start3A_98] : memref<3x128x128xf32, #tpu.memory_space<vmem>> -> memref<1x128x128xf32, #tpu.memory_space<vmem>>
    %dma_start3A_100 = tpu.memref_squeeze %dma_start3A_99 : memref<1x128x128xf32, #tpu.memory_space<vmem>> -> memref<128x128xf32, #tpu.memory_space<vmem>>
    tpu.enqueue_dma source(%dma_start3A_100 : memref<128x128xf32, #tpu.memory_space<vmem>>) target(%dma_start3A_96 : memref<128x128xf32, #tpu.memory_space<hbm>>) target_semaphore(%arg19 : memref<!tpu.dma_semaphore, #tpu.memory_space<semaphore_mem>>)
    %dma_start3A_101 = arith.constant 2 : i32
    %dma_start3A_102 = arith.constant 2 : i32
    %dma_start3A_103 = arith.constant 0 : i32
    %dma_start3A_104 = arith.constant 0 : i32
    %dma_start3A_105 = tpu.memref_slice %arg8[%dma_start3A_102, %dma_start3A_103, %dma_start3A_104] : memref<3x128x128xf32, #tpu.memory_space<vmem>> -> memref<1x128x128xf32, #tpu.memory_space<vmem>>
    %dma_start3A_106 = tpu.memref_squeeze %dma_start3A_105 : memref<1x128x128xf32, #tpu.memory_space<vmem>> -> memref<128x128xf32, #tpu.memory_space<vmem>>
    %dma_start3A_107 = arith.constant 0 : i32
    %dma_start3A_108 = tpu.memref_slice %arg7[%dma_start3A_101, %dma_start3A_107] : memref<4x128xi32, #tpu.memory_space<vmem>> -> memref<1x128xi32, #tpu.memory_space<vmem>>
    %dma_start3A_109 = tpu.memref_squeeze %dma_start3A_108 : memref<1x128xi32, #tpu.memory_space<vmem>> -> memref<128xi32, #tpu.memory_space<vmem>>
    %dma_start3A_110 = arith.constant 0 : i32
    %dma_start3A_111 = arith.constant 0 : i32
    %dma_start3A_112 = tpu.memref_slice %arg2[%dma_start3A_110, %dma_start3A_111] : memref<50000x128xf32, #tpu.memory_space<hbm>> -> memref<50000x128xf32, #tpu.memory_space<hbm>>
    tpu.enqueue_indirect_dma source(%dma_start3A_112 : memref<50000x128xf32, #tpu.memory_space<hbm>>) target(%dma_start3A_106 : memref<128x128xf32, #tpu.memory_space<vmem>>) offsets(%dma_start3A_109 : memref<128xi32, #tpu.memory_space<vmem>>) semaphore(%arg12 : memref<!tpu.dma_semaphore, #tpu.memory_space<semaphore_mem>>)
    %dma_start3A_113 = arith.constant 2 : i32
    %dma_start3A_114 = arith.constant 2 : i32
    %dma_start3A_115 = arith.constant 0 : i32
    %dma_start3A_116 = arith.constant 0 : i32
    %dma_start3A_117 = tpu.memref_slice %arg9[%dma_start3A_114, %dma_start3A_115, %dma_start3A_116] : memref<3x128x128xf32, #tpu.memory_space<vmem>> -> memref<1x128x128xf32, #tpu.memory_space<vmem>>
    %dma_start3A_118 = tpu.memref_squeeze %dma_start3A_117 : memref<1x128x128xf32, #tpu.memory_space<vmem>> -> memref<128x128xf32, #tpu.memory_space<vmem>>
    %dma_start3A_119 = arith.constant 0 : i32
    %dma_start3A_120 = tpu.memref_slice %arg7[%dma_start3A_113, %dma_start3A_119] : memref<4x128xi32, #tpu.memory_space<vmem>> -> memref<1x128xi32, #tpu.memory_space<vmem>>
    %dma_start3A_121 = tpu.memref_squeeze %dma_start3A_120 : memref<1x128xi32, #tpu.memory_space<vmem>> -> memref<128xi32, #tpu.memory_space<vmem>>
    %dma_start3A_122 = arith.constant 0 : i32
    %dma_start3A_123 = arith.constant 0 : i32
    %dma_start3A_124 = tpu.memref_slice %arg3[%dma_start3A_122, %dma_start3A_123] : memref<50000x128xf32, #tpu.memory_space<hbm>> -> memref<50000x128xf32, #tpu.memory_space<hbm>>
    tpu.enqueue_indirect_dma source(%dma_start3A_124 : memref<50000x128xf32, #tpu.memory_space<hbm>>) target(%dma_start3A_118 : memref<128x128xf32, #tpu.memory_space<vmem>>) offsets(%dma_start3A_121 : memref<128xi32, #tpu.memory_space<vmem>>) semaphore(%arg15 : memref<!tpu.dma_semaphore, #tpu.memory_space<semaphore_mem>>)
    %dma_wait3A_125 = arith.constant 1 : i32
    %dma_wait3A_126 = arith.constant 1 : i32
    %dma_wait3A_127 = arith.constant 0 : i32
    %dma_wait3A_128 = arith.constant 0 : i32
    %dma_wait3A_129 = tpu.memref_slice %arg8[%dma_wait3A_126, %dma_wait3A_127, %dma_wait3A_128] : memref<3x128x128xf32, #tpu.memory_space<vmem>> -> memref<1x128x128xf32, #tpu.memory_space<vmem>>
    %dma_wait3A_130 = tpu.memref_squeeze %dma_wait3A_129 : memref<1x128x128xf32, #tpu.memory_space<vmem>> -> memref<128x128xf32, #tpu.memory_space<vmem>>
    %dma_wait3A_131 = arith.constant 0 : i32
    %dma_wait3A_132 = tpu.memref_slice %arg7[%dma_wait3A_125, %dma_wait3A_131] : memref<4x128xi32, #tpu.memory_space<vmem>> -> memref<1x128xi32, #tpu.memory_space<vmem>>
    %dma_wait3A_133 = tpu.memref_squeeze %dma_wait3A_132 : memref<1x128xi32, #tpu.memory_space<vmem>> -> memref<128xi32, #tpu.memory_space<vmem>>
    %dma_wait3A_134 = arith.constant 0 : i32
    %dma_wait3A_135 = arith.constant 0 : i32
    %dma_wait3A_136 = tpu.memref_slice %arg2[%dma_wait3A_134, %dma_wait3A_135] : memref<50000x128xf32, #tpu.memory_space<hbm>> -> memref<50000x128xf32, #tpu.memory_space<hbm>>
    tpu.wait_indirect_dma semaphore(%arg11 : memref<!tpu.dma_semaphore, #tpu.memory_space<semaphore_mem>>) src(%dma_wait3A_136 : memref<50000x128xf32, #tpu.memory_space<hbm>>) dst(%dma_wait3A_130 : memref<128x128xf32, #tpu.memory_space<vmem>>)
    %dma_wait3A_137 = arith.constant 1 : i32
    %dma_wait3A_138 = arith.constant 1 : i32
    %dma_wait3A_139 = arith.constant 0 : i32
    %dma_wait3A_140 = arith.constant 0 : i32
    %dma_wait3A_141 = tpu.memref_slice %arg9[%dma_wait3A_138, %dma_wait3A_139, %dma_wait3A_140] : memref<3x128x128xf32, #tpu.memory_space<vmem>> -> memref<1x128x128xf32, #tpu.memory_space<vmem>>
    %dma_wait3A_142 = tpu.memref_squeeze %dma_wait3A_141 : memref<1x128x128xf32, #tpu.memory_space<vmem>> -> memref<128x128xf32, #tpu.memory_space<vmem>>
    %dma_wait3A_143 = arith.constant 0 : i32
    %dma_wait3A_144 = tpu.memref_slice %arg7[%dma_wait3A_137, %dma_wait3A_143] : memref<4x128xi32, #tpu.memory_space<vmem>> -> memref<1x128xi32, #tpu.memory_space<vmem>>
    %dma_wait3A_145 = tpu.memref_squeeze %dma_wait3A_144 : memref<1x128xi32, #tpu.memory_space<vmem>> -> memref<128xi32, #tpu.memory_space<vmem>>
    %dma_wait3A_146 = arith.constant 0 : i32
    %dma_wait3A_147 = arith.constant 0 : i32
    %dma_wait3A_148 = tpu.memref_slice %arg3[%dma_wait3A_146, %dma_wait3A_147] : memref<50000x128xf32, #tpu.memory_space<hbm>> -> memref<50000x128xf32, #tpu.memory_space<hbm>>
    tpu.wait_indirect_dma semaphore(%arg14 : memref<!tpu.dma_semaphore, #tpu.memory_space<semaphore_mem>>) src(%dma_wait3A_148 : memref<50000x128xf32, #tpu.memory_space<hbm>>) dst(%dma_wait3A_142 : memref<128x128xf32, #tpu.memory_space<vmem>>)
    %add3A_149 = arith.constant 128 : i32
    %add3A_150 = arith.addi %mul3A_2, %add3A_149 : i32
    %dma_start3A_151 = arith.constant 1 : i32
    %dma_start3A_152 = arith.constant 0 : i32
    %dma_start3A_153 = arith.constant 0 : i32
    %dma_start3A_154 = tpu.memref_slice %arg8[%dma_start3A_151, %dma_start3A_152, %dma_start3A_153] : memref<3x128x128xf32, #tpu.memory_space<vmem>> -> memref<1x128x128xf32, #tpu.memory_space<vmem>>
    %dma_start3A_155 = tpu.memref_squeeze %dma_start3A_154 : memref<1x128x128xf32, #tpu.memory_space<vmem>> -> memref<128x128xf32, #tpu.memory_space<vmem>>
    %dma_start3A_156 = arith.constant 0 : i32
    %dma_start3A_157 = tpu.memref_slice %arg5[%add3A_150, %dma_start3A_156] : memref<16384x128xf32, #tpu.memory_space<hbm>> -> memref<128x128xf32, #tpu.memory_space<hbm>>
    %dma_start3A_158 = arith.constant 0 : i32
    %dma_start3A_159 = tpu.memref_slice %arg5[%add3A_150, %dma_start3A_158] : memref<16384x128xf32, #tpu.memory_space<hbm>> -> memref<128x128xf32, #tpu.memory_space<hbm>>
    %dma_start3A_160 = arith.constant 0 : i32
    %dma_start3A_161 = arith.constant 0 : i32
    %dma_start3A_162 = tpu.memref_slice %arg8[%dma_start3A_151, %dma_start3A_160, %dma_start3A_161] : memref<3x128x128xf32, #tpu.memory_space<vmem>> -> memref<1x128x128xf32, #tpu.memory_space<vmem>>
    %dma_start3A_163 = tpu.memref_squeeze %dma_start3A_162 : memref<1x128x128xf32, #tpu.memory_space<vmem>> -> memref<128x128xf32, #tpu.memory_space<vmem>>
    tpu.enqueue_dma source(%dma_start3A_163 : memref<128x128xf32, #tpu.memory_space<vmem>>) target(%dma_start3A_159 : memref<128x128xf32, #tpu.memory_space<hbm>>) target_semaphore(%arg17 : memref<!tpu.dma_semaphore, #tpu.memory_space<semaphore_mem>>)
    %dma_start3A_164 = arith.constant 1 : i32
    %dma_start3A_165 = arith.constant 0 : i32
    %dma_start3A_166 = arith.constant 0 : i32
    %dma_start3A_167 = tpu.memref_slice %arg9[%dma_start3A_164, %dma_start3A_165, %dma_start3A_166] : memref<3x128x128xf32, #tpu.memory_space<vmem>> -> memref<1x128x128xf32, #tpu.memory_space<vmem>>
    %dma_start3A_168 = tpu.memref_squeeze %dma_start3A_167 : memref<1x128x128xf32, #tpu.memory_space<vmem>> -> memref<128x128xf32, #tpu.memory_space<vmem>>
    %dma_start3A_169 = arith.constant 0 : i32
    %dma_start3A_170 = tpu.memref_slice %arg6[%add3A_150, %dma_start3A_169] : memref<16384x128xf32, #tpu.memory_space<hbm>> -> memref<128x128xf32, #tpu.memory_space<hbm>>
    %dma_start3A_171 = arith.constant 0 : i32
    %dma_start3A_172 = tpu.memref_slice %arg6[%add3A_150, %dma_start3A_171] : memref<16384x128xf32, #tpu.memory_space<hbm>> -> memref<128x128xf32, #tpu.memory_space<hbm>>
    %dma_start3A_173 = arith.constant 0 : i32
    %dma_start3A_174 = arith.constant 0 : i32
    %dma_start3A_175 = tpu.memref_slice %arg9[%dma_start3A_164, %dma_start3A_173, %dma_start3A_174] : memref<3x128x128xf32, #tpu.memory_space<vmem>> -> memref<1x128x128xf32, #tpu.memory_space<vmem>>
    %dma_start3A_176 = tpu.memref_squeeze %dma_start3A_175 : memref<1x128x128xf32, #tpu.memory_space<vmem>> -> memref<128x128xf32, #tpu.memory_space<vmem>>
    tpu.enqueue_dma source(%dma_start3A_176 : memref<128x128xf32, #tpu.memory_space<vmem>>) target(%dma_start3A_172 : memref<128x128xf32, #tpu.memory_space<hbm>>) target_semaphore(%arg20 : memref<!tpu.dma_semaphore, #tpu.memory_space<semaphore_mem>>)
    %dma_wait3A_177 = arith.constant 0 : i32
    %dma_wait3A_178 = arith.constant 0 : i32
    %dma_wait3A_179 = arith.constant 0 : i32
    %dma_wait3A_180 = tpu.memref_slice %arg8[%dma_wait3A_177, %dma_wait3A_178, %dma_wait3A_179] : memref<3x128x128xf32, #tpu.memory_space<vmem>> -> memref<1x128x128xf32, #tpu.memory_space<vmem>>
    %dma_wait3A_181 = tpu.memref_squeeze %dma_wait3A_180 : memref<1x128x128xf32, #tpu.memory_space<vmem>> -> memref<128x128xf32, #tpu.memory_space<vmem>>
    %dma_wait3A_182 = arith.constant 0 : i32
    %dma_wait3A_183 = tpu.memref_slice %arg5[%add3A_74, %dma_wait3A_182] : memref<16384x128xf32, #tpu.memory_space<hbm>> -> memref<128x128xf32, #tpu.memory_space<hbm>>
    %dma_wait3A_184 = arith.constant 0 : i32
    %dma_wait3A_185 = tpu.memref_slice %arg5[%add3A_74, %dma_wait3A_184] : memref<16384x128xf32, #tpu.memory_space<hbm>> -> memref<128x128xf32, #tpu.memory_space<hbm>>
    %dma_wait3A_186 = arith.constant 0 : i32
    %dma_wait3A_187 = arith.constant 0 : i32
    %dma_wait3A_188 = tpu.memref_slice %arg8[%dma_wait3A_177, %dma_wait3A_186, %dma_wait3A_187] : memref<3x128x128xf32, #tpu.memory_space<vmem>> -> memref<1x128x128xf32, #tpu.memory_space<vmem>>
    %dma_wait3A_189 = tpu.memref_squeeze %dma_wait3A_188 : memref<1x128x128xf32, #tpu.memory_space<vmem>> -> memref<128x128xf32, #tpu.memory_space<vmem>>
    tpu.wait_dma2 semaphore(%arg16 : memref<!tpu.dma_semaphore, #tpu.memory_space<semaphore_mem>>) src(%dma_wait3A_189 : memref<128x128xf32, #tpu.memory_space<vmem>>) dst(%dma_wait3A_185 : memref<128x128xf32, #tpu.memory_space<hbm>>)
    %dma_wait3A_190 = arith.constant 0 : i32
    %dma_wait3A_191 = arith.constant 0 : i32
    %dma_wait3A_192 = arith.constant 0 : i32
    %dma_wait3A_193 = tpu.memref_slice %arg9[%dma_wait3A_190, %dma_wait3A_191, %dma_wait3A_192] : memref<3x128x128xf32, #tpu.memory_space<vmem>> -> memref<1x128x128xf32, #tpu.memory_space<vmem>>
    %dma_wait3A_194 = tpu.memref_squeeze %dma_wait3A_193 : memref<1x128x128xf32, #tpu.memory_space<vmem>> -> memref<128x128xf32, #tpu.memory_space<vmem>>
    %dma_wait3A_195 = arith.constant 0 : i32
    %dma_wait3A_196 = tpu.memref_slice %arg6[%add3A_74, %dma_wait3A_195] : memref<16384x128xf32, #tpu.memory_space<hbm>> -> memref<128x128xf32, #tpu.memory_space<hbm>>
    %dma_wait3A_197 = arith.constant 0 : i32
    %dma_wait3A_198 = tpu.memref_slice %arg6[%add3A_74, %dma_wait3A_197] : memref<16384x128xf32, #tpu.memory_space<hbm>> -> memref<128x128xf32, #tpu.memory_space<hbm>>
    %dma_wait3A_199 = arith.constant 0 : i32
    %dma_wait3A_200 = arith.constant 0 : i32
    %dma_wait3A_201 = tpu.memref_slice %arg9[%dma_wait3A_190, %dma_wait3A_199, %dma_wait3A_200] : memref<3x128x128xf32, #tpu.memory_space<vmem>> -> memref<1x128x128xf32, #tpu.memory_space<vmem>>
    %dma_wait3A_202 = tpu.memref_squeeze %dma_wait3A_201 : memref<1x128x128xf32, #tpu.memory_space<vmem>> -> memref<128x128xf32, #tpu.memory_space<vmem>>
    tpu.wait_dma2 semaphore(%arg19 : memref<!tpu.dma_semaphore, #tpu.memory_space<semaphore_mem>>) src(%dma_wait3A_202 : memref<128x128xf32, #tpu.memory_space<vmem>>) dst(%dma_wait3A_198 : memref<128x128xf32, #tpu.memory_space<hbm>>)
    %dma_start3A_203 = arith.constant 3 : i32
    %dma_start3A_204 = arith.constant 0 : i32
    %dma_start3A_205 = arith.constant 0 : i32
    %dma_start3A_206 = arith.constant 0 : i32
    %dma_start3A_207 = tpu.memref_slice %arg8[%dma_start3A_204, %dma_start3A_205, %dma_start3A_206] : memref<3x128x128xf32, #tpu.memory_space<vmem>> -> memref<1x128x128xf32, #tpu.memory_space<vmem>>
    %dma_start3A_208 = tpu.memref_squeeze %dma_start3A_207 : memref<1x128x128xf32, #tpu.memory_space<vmem>> -> memref<128x128xf32, #tpu.memory_space<vmem>>
    %dma_start3A_209 = arith.constant 0 : i32
    %dma_start3A_210 = tpu.memref_slice %arg7[%dma_start3A_203, %dma_start3A_209] : memref<4x128xi32, #tpu.memory_space<vmem>> -> memref<1x128xi32, #tpu.memory_space<vmem>>
    %dma_start3A_211 = tpu.memref_squeeze %dma_start3A_210 : memref<1x128xi32, #tpu.memory_space<vmem>> -> memref<128xi32, #tpu.memory_space<vmem>>
    %dma_start3A_212 = arith.constant 0 : i32
    %dma_start3A_213 = arith.constant 0 : i32
    %dma_start3A_214 = tpu.memref_slice %arg2[%dma_start3A_212, %dma_start3A_213] : memref<50000x128xf32, #tpu.memory_space<hbm>> -> memref<50000x128xf32, #tpu.memory_space<hbm>>
    tpu.enqueue_indirect_dma source(%dma_start3A_214 : memref<50000x128xf32, #tpu.memory_space<hbm>>) target(%dma_start3A_208 : memref<128x128xf32, #tpu.memory_space<vmem>>) offsets(%dma_start3A_211 : memref<128xi32, #tpu.memory_space<vmem>>) semaphore(%arg10 : memref<!tpu.dma_semaphore, #tpu.memory_space<semaphore_mem>>)
    %dma_start3A_215 = arith.constant 3 : i32
    %dma_start3A_216 = arith.constant 0 : i32
    %dma_start3A_217 = arith.constant 0 : i32
    %dma_start3A_218 = arith.constant 0 : i32
    %dma_start3A_219 = tpu.memref_slice %arg9[%dma_start3A_216, %dma_start3A_217, %dma_start3A_218] : memref<3x128x128xf32, #tpu.memory_space<vmem>> -> memref<1x128x128xf32, #tpu.memory_space<vmem>>
    %dma_start3A_220 = tpu.memref_squeeze %dma_start3A_219 : memref<1x128x128xf32, #tpu.memory_space<vmem>> -> memref<128x128xf32, #tpu.memory_space<vmem>>
    %dma_start3A_221 = arith.constant 0 : i32
    %dma_start3A_222 = tpu.memref_slice %arg7[%dma_start3A_215, %dma_start3A_221] : memref<4x128xi32, #tpu.memory_space<vmem>> -> memref<1x128xi32, #tpu.memory_space<vmem>>
    %dma_start3A_223 = tpu.memref_squeeze %dma_start3A_222 : memref<1x128xi32, #tpu.memory_space<vmem>> -> memref<128xi32, #tpu.memory_space<vmem>>
    %dma_start3A_224 = arith.constant 0 : i32
    %dma_start3A_225 = arith.constant 0 : i32
    %dma_start3A_226 = tpu.memref_slice %arg3[%dma_start3A_224, %dma_start3A_225] : memref<50000x128xf32, #tpu.memory_space<hbm>> -> memref<50000x128xf32, #tpu.memory_space<hbm>>
    tpu.enqueue_indirect_dma source(%dma_start3A_226 : memref<50000x128xf32, #tpu.memory_space<hbm>>) target(%dma_start3A_220 : memref<128x128xf32, #tpu.memory_space<vmem>>) offsets(%dma_start3A_223 : memref<128xi32, #tpu.memory_space<vmem>>) semaphore(%arg13 : memref<!tpu.dma_semaphore, #tpu.memory_space<semaphore_mem>>)
    %dma_wait3A_227 = arith.constant 2 : i32
    %dma_wait3A_228 = arith.constant 2 : i32
    %dma_wait3A_229 = arith.constant 0 : i32
    %dma_wait3A_230 = arith.constant 0 : i32
    %dma_wait3A_231 = tpu.memref_slice %arg8[%dma_wait3A_228, %dma_wait3A_229, %dma_wait3A_230] : memref<3x128x128xf32, #tpu.memory_space<vmem>> -> memref<1x128x128xf32, #tpu.memory_space<vmem>>
    %dma_wait3A_232 = tpu.memref_squeeze %dma_wait3A_231 : memref<1x128x128xf32, #tpu.memory_space<vmem>> -> memref<128x128xf32, #tpu.memory_space<vmem>>
    %dma_wait3A_233 = arith.constant 0 : i32
    %dma_wait3A_234 = tpu.memref_slice %arg7[%dma_wait3A_227, %dma_wait3A_233] : memref<4x128xi32, #tpu.memory_space<vmem>> -> memref<1x128xi32, #tpu.memory_space<vmem>>
    %dma_wait3A_235 = tpu.memref_squeeze %dma_wait3A_234 : memref<1x128xi32, #tpu.memory_space<vmem>> -> memref<128xi32, #tpu.memory_space<vmem>>
    %dma_wait3A_236 = arith.constant 0 : i32
    %dma_wait3A_237 = arith.constant 0 : i32
    %dma_wait3A_238 = tpu.memref_slice %arg2[%dma_wait3A_236, %dma_wait3A_237] : memref<50000x128xf32, #tpu.memory_space<hbm>> -> memref<50000x128xf32, #tpu.memory_space<hbm>>
    tpu.wait_indirect_dma semaphore(%arg12 : memref<!tpu.dma_semaphore, #tpu.memory_space<semaphore_mem>>) src(%dma_wait3A_238 : memref<50000x128xf32, #tpu.memory_space<hbm>>) dst(%dma_wait3A_232 : memref<128x128xf32, #tpu.memory_space<vmem>>)
    %dma_wait3A_239 = arith.constant 2 : i32
    %dma_wait3A_240 = arith.constant 2 : i32
    %dma_wait3A_241 = arith.constant 0 : i32
    %dma_wait3A_242 = arith.constant 0 : i32
    %dma_wait3A_243 = tpu.memref_slice %arg9[%dma_wait3A_240, %dma_wait3A_241, %dma_wait3A_242] : memref<3x128x128xf32, #tpu.memory_space<vmem>> -> memref<1x128x128xf32, #tpu.memory_space<vmem>>
    %dma_wait3A_244 = tpu.memref_squeeze %dma_wait3A_243 : memref<1x128x128xf32, #tpu.memory_space<vmem>> -> memref<128x128xf32, #tpu.memory_space<vmem>>
    %dma_wait3A_245 = arith.constant 0 : i32
    %dma_wait3A_246 = tpu.memref_slice %arg7[%dma_wait3A_239, %dma_wait3A_245] : memref<4x128xi32, #tpu.memory_space<vmem>> -> memref<1x128xi32, #tpu.memory_space<vmem>>
    %dma_wait3A_247 = tpu.memref_squeeze %dma_wait3A_246 : memref<1x128xi32, #tpu.memory_space<vmem>> -> memref<128xi32, #tpu.memory_space<vmem>>
    %dma_wait3A_248 = arith.constant 0 : i32
    %dma_wait3A_249 = arith.constant 0 : i32
    %dma_wait3A_250 = tpu.memref_slice %arg3[%dma_wait3A_248, %dma_wait3A_249] : memref<50000x128xf32, #tpu.memory_space<hbm>> -> memref<50000x128xf32, #tpu.memory_space<hbm>>
    tpu.wait_indirect_dma semaphore(%arg15 : memref<!tpu.dma_semaphore, #tpu.memory_space<semaphore_mem>>) src(%dma_wait3A_250 : memref<50000x128xf32, #tpu.memory_space<hbm>>) dst(%dma_wait3A_244 : memref<128x128xf32, #tpu.memory_space<vmem>>)
    %add3A_251 = arith.constant 256 : i32
    %add3A_252 = arith.addi %mul3A_2, %add3A_251 : i32
    %dma_start3A_253 = arith.constant 2 : i32
    %dma_start3A_254 = arith.constant 0 : i32
    %dma_start3A_255 = arith.constant 0 : i32
    %dma_start3A_256 = tpu.memref_slice %arg8[%dma_start3A_253, %dma_start3A_254, %dma_start3A_255] : memref<3x128x128xf32, #tpu.memory_space<vmem>> -> memref<1x128x128xf32, #tpu.memory_space<vmem>>
    %dma_start3A_257 = tpu.memref_squeeze %dma_start3A_256 : memref<1x128x128xf32, #tpu.memory_space<vmem>> -> memref<128x128xf32, #tpu.memory_space<vmem>>
    %dma_start3A_258 = arith.constant 0 : i32
    %dma_start3A_259 = tpu.memref_slice %arg5[%add3A_252, %dma_start3A_258] : memref<16384x128xf32, #tpu.memory_space<hbm>> -> memref<128x128xf32, #tpu.memory_space<hbm>>
    %dma_start3A_260 = arith.constant 0 : i32
    %dma_start3A_261 = tpu.memref_slice %arg5[%add3A_252, %dma_start3A_260] : memref<16384x128xf32, #tpu.memory_space<hbm>> -> memref<128x128xf32, #tpu.memory_space<hbm>>
    %dma_start3A_262 = arith.constant 0 : i32
    %dma_start3A_263 = arith.constant 0 : i32
    %dma_start3A_264 = tpu.memref_slice %arg8[%dma_start3A_253, %dma_start3A_262, %dma_start3A_263] : memref<3x128x128xf32, #tpu.memory_space<vmem>> -> memref<1x128x128xf32, #tpu.memory_space<vmem>>
    %dma_start3A_265 = tpu.memref_squeeze %dma_start3A_264 : memref<1x128x128xf32, #tpu.memory_space<vmem>> -> memref<128x128xf32, #tpu.memory_space<vmem>>
    tpu.enqueue_dma source(%dma_start3A_265 : memref<128x128xf32, #tpu.memory_space<vmem>>) target(%dma_start3A_261 : memref<128x128xf32, #tpu.memory_space<hbm>>) target_semaphore(%arg18 : memref<!tpu.dma_semaphore, #tpu.memory_space<semaphore_mem>>)
    %dma_start3A_266 = arith.constant 2 : i32
    %dma_start3A_267 = arith.constant 0 : i32
    %dma_start3A_268 = arith.constant 0 : i32
    %dma_start3A_269 = tpu.memref_slice %arg9[%dma_start3A_266, %dma_start3A_267, %dma_start3A_268] : memref<3x128x128xf32, #tpu.memory_space<vmem>> -> memref<1x128x128xf32, #tpu.memory_space<vmem>>
    %dma_start3A_270 = tpu.memref_squeeze %dma_start3A_269 : memref<1x128x128xf32, #tpu.memory_space<vmem>> -> memref<128x128xf32, #tpu.memory_space<vmem>>
    %dma_start3A_271 = arith.constant 0 : i32
    %dma_start3A_272 = tpu.memref_slice %arg6[%add3A_252, %dma_start3A_271] : memref<16384x128xf32, #tpu.memory_space<hbm>> -> memref<128x128xf32, #tpu.memory_space<hbm>>
    %dma_start3A_273 = arith.constant 0 : i32
    %dma_start3A_274 = tpu.memref_slice %arg6[%add3A_252, %dma_start3A_273] : memref<16384x128xf32, #tpu.memory_space<hbm>> -> memref<128x128xf32, #tpu.memory_space<hbm>>
    %dma_start3A_275 = arith.constant 0 : i32
    %dma_start3A_276 = arith.constant 0 : i32
    %dma_start3A_277 = tpu.memref_slice %arg9[%dma_start3A_266, %dma_start3A_275, %dma_start3A_276] : memref<3x128x128xf32, #tpu.memory_space<vmem>> -> memref<1x128x128xf32, #tpu.memory_space<vmem>>
    %dma_start3A_278 = tpu.memref_squeeze %dma_start3A_277 : memref<1x128x128xf32, #tpu.memory_space<vmem>> -> memref<128x128xf32, #tpu.memory_space<vmem>>
    tpu.enqueue_dma source(%dma_start3A_278 : memref<128x128xf32, #tpu.memory_space<vmem>>) target(%dma_start3A_274 : memref<128x128xf32, #tpu.memory_space<hbm>>) target_semaphore(%arg21 : memref<!tpu.dma_semaphore, #tpu.memory_space<semaphore_mem>>)
    %dma_wait3A_279 = arith.constant 3 : i32
    %dma_wait3A_280 = arith.constant 0 : i32
    %dma_wait3A_281 = arith.constant 0 : i32
    %dma_wait3A_282 = arith.constant 0 : i32
    %dma_wait3A_283 = tpu.memref_slice %arg8[%dma_wait3A_280, %dma_wait3A_281, %dma_wait3A_282] : memref<3x128x128xf32, #tpu.memory_space<vmem>> -> memref<1x128x128xf32, #tpu.memory_space<vmem>>
    %dma_wait3A_284 = tpu.memref_squeeze %dma_wait3A_283 : memref<1x128x128xf32, #tpu.memory_space<vmem>> -> memref<128x128xf32, #tpu.memory_space<vmem>>
    %dma_wait3A_285 = arith.constant 0 : i32
    %dma_wait3A_286 = tpu.memref_slice %arg7[%dma_wait3A_279, %dma_wait3A_285] : memref<4x128xi32, #tpu.memory_space<vmem>> -> memref<1x128xi32, #tpu.memory_space<vmem>>
    %dma_wait3A_287 = tpu.memref_squeeze %dma_wait3A_286 : memref<1x128xi32, #tpu.memory_space<vmem>> -> memref<128xi32, #tpu.memory_space<vmem>>
    %dma_wait3A_288 = arith.constant 0 : i32
    %dma_wait3A_289 = arith.constant 0 : i32
    %dma_wait3A_290 = tpu.memref_slice %arg2[%dma_wait3A_288, %dma_wait3A_289] : memref<50000x128xf32, #tpu.memory_space<hbm>> -> memref<50000x128xf32, #tpu.memory_space<hbm>>
    tpu.wait_indirect_dma semaphore(%arg10 : memref<!tpu.dma_semaphore, #tpu.memory_space<semaphore_mem>>) src(%dma_wait3A_290 : memref<50000x128xf32, #tpu.memory_space<hbm>>) dst(%dma_wait3A_284 : memref<128x128xf32, #tpu.memory_space<vmem>>)
    %dma_wait3A_291 = arith.constant 3 : i32
    %dma_wait3A_292 = arith.constant 0 : i32
    %dma_wait3A_293 = arith.constant 0 : i32
    %dma_wait3A_294 = arith.constant 0 : i32
    %dma_wait3A_295 = tpu.memref_slice %arg9[%dma_wait3A_292, %dma_wait3A_293, %dma_wait3A_294] : memref<3x128x128xf32, #tpu.memory_space<vmem>> -> memref<1x128x128xf32, #tpu.memory_space<vmem>>
    %dma_wait3A_296 = tpu.memref_squeeze %dma_wait3A_295 : memref<1x128x128xf32, #tpu.memory_space<vmem>> -> memref<128x128xf32, #tpu.memory_space<vmem>>
    %dma_wait3A_297 = arith.constant 0 : i32
    %dma_wait3A_298 = tpu.memref_slice %arg7[%dma_wait3A_291, %dma_wait3A_297] : memref<4x128xi32, #tpu.memory_space<vmem>> -> memref<1x128xi32, #tpu.memory_space<vmem>>
    %dma_wait3A_299 = tpu.memref_squeeze %dma_wait3A_298 : memref<1x128xi32, #tpu.memory_space<vmem>> -> memref<128xi32, #tpu.memory_space<vmem>>
    %dma_wait3A_300 = arith.constant 0 : i32
    %dma_wait3A_301 = arith.constant 0 : i32
    %dma_wait3A_302 = tpu.memref_slice %arg3[%dma_wait3A_300, %dma_wait3A_301] : memref<50000x128xf32, #tpu.memory_space<hbm>> -> memref<50000x128xf32, #tpu.memory_space<hbm>>
    tpu.wait_indirect_dma semaphore(%arg13 : memref<!tpu.dma_semaphore, #tpu.memory_space<semaphore_mem>>) src(%dma_wait3A_302 : memref<50000x128xf32, #tpu.memory_space<hbm>>) dst(%dma_wait3A_296 : memref<128x128xf32, #tpu.memory_space<vmem>>)
    %add3A_303 = arith.constant 384 : i32
    %add3A_304 = arith.addi %mul3A_2, %add3A_303 : i32
    %dma_start3A_305 = arith.constant 0 : i32
    %dma_start3A_306 = arith.constant 0 : i32
    %dma_start3A_307 = arith.constant 0 : i32
    %dma_start3A_308 = tpu.memref_slice %arg8[%dma_start3A_305, %dma_start3A_306, %dma_start3A_307] : memref<3x128x128xf32, #tpu.memory_space<vmem>> -> memref<1x128x128xf32, #tpu.memory_space<vmem>>
    %dma_start3A_309 = tpu.memref_squeeze %dma_start3A_308 : memref<1x128x128xf32, #tpu.memory_space<vmem>> -> memref<128x128xf32, #tpu.memory_space<vmem>>
    %dma_start3A_310 = arith.constant 0 : i32
    %dma_start3A_311 = tpu.memref_slice %arg5[%add3A_304, %dma_start3A_310] : memref<16384x128xf32, #tpu.memory_space<hbm>> -> memref<128x128xf32, #tpu.memory_space<hbm>>
    %dma_start3A_312 = arith.constant 0 : i32
    %dma_start3A_313 = tpu.memref_slice %arg5[%add3A_304, %dma_start3A_312] : memref<16384x128xf32, #tpu.memory_space<hbm>> -> memref<128x128xf32, #tpu.memory_space<hbm>>
    %dma_start3A_314 = arith.constant 0 : i32
    %dma_start3A_315 = arith.constant 0 : i32
    %dma_start3A_316 = tpu.memref_slice %arg8[%dma_start3A_305, %dma_start3A_314, %dma_start3A_315] : memref<3x128x128xf32, #tpu.memory_space<vmem>> -> memref<1x128x128xf32, #tpu.memory_space<vmem>>
    %dma_start3A_317 = tpu.memref_squeeze %dma_start3A_316 : memref<1x128x128xf32, #tpu.memory_space<vmem>> -> memref<128x128xf32, #tpu.memory_space<vmem>>
    tpu.enqueue_dma source(%dma_start3A_317 : memref<128x128xf32, #tpu.memory_space<vmem>>) target(%dma_start3A_313 : memref<128x128xf32, #tpu.memory_space<hbm>>) target_semaphore(%arg16 : memref<!tpu.dma_semaphore, #tpu.memory_space<semaphore_mem>>)
    %dma_start3A_318 = arith.constant 0 : i32
    %dma_start3A_319 = arith.constant 0 : i32
    %dma_start3A_320 = arith.constant 0 : i32
    %dma_start3A_321 = tpu.memref_slice %arg9[%dma_start3A_318, %dma_start3A_319, %dma_start3A_320] : memref<3x128x128xf32, #tpu.memory_space<vmem>> -> memref<1x128x128xf32, #tpu.memory_space<vmem>>
    %dma_start3A_322 = tpu.memref_squeeze %dma_start3A_321 : memref<1x128x128xf32, #tpu.memory_space<vmem>> -> memref<128x128xf32, #tpu.memory_space<vmem>>
    %dma_start3A_323 = arith.constant 0 : i32
    %dma_start3A_324 = tpu.memref_slice %arg6[%add3A_304, %dma_start3A_323] : memref<16384x128xf32, #tpu.memory_space<hbm>> -> memref<128x128xf32, #tpu.memory_space<hbm>>
    %dma_start3A_325 = arith.constant 0 : i32
    %dma_start3A_326 = tpu.memref_slice %arg6[%add3A_304, %dma_start3A_325] : memref<16384x128xf32, #tpu.memory_space<hbm>> -> memref<128x128xf32, #tpu.memory_space<hbm>>
    %dma_start3A_327 = arith.constant 0 : i32
    %dma_start3A_328 = arith.constant 0 : i32
    %dma_start3A_329 = tpu.memref_slice %arg9[%dma_start3A_318, %dma_start3A_327, %dma_start3A_328] : memref<3x128x128xf32, #tpu.memory_space<vmem>> -> memref<1x128x128xf32, #tpu.memory_space<vmem>>
    %dma_start3A_330 = tpu.memref_squeeze %dma_start3A_329 : memref<1x128x128xf32, #tpu.memory_space<vmem>> -> memref<128x128xf32, #tpu.memory_space<vmem>>
    tpu.enqueue_dma source(%dma_start3A_330 : memref<128x128xf32, #tpu.memory_space<vmem>>) target(%dma_start3A_326 : memref<128x128xf32, #tpu.memory_space<hbm>>) target_semaphore(%arg19 : memref<!tpu.dma_semaphore, #tpu.memory_space<semaphore_mem>>)
    %dma_wait3A_331 = arith.constant 1 : i32
    %dma_wait3A_332 = arith.constant 0 : i32
    %dma_wait3A_333 = arith.constant 0 : i32
    %dma_wait3A_334 = tpu.memref_slice %arg8[%dma_wait3A_331, %dma_wait3A_332, %dma_wait3A_333] : memref<3x128x128xf32, #tpu.memory_space<vmem>> -> memref<1x128x128xf32, #tpu.memory_space<vmem>>
    %dma_wait3A_335 = tpu.memref_squeeze %dma_wait3A_334 : memref<1x128x128xf32, #tpu.memory_space<vmem>> -> memref<128x128xf32, #tpu.memory_space<vmem>>
    %dma_wait3A_336 = arith.constant 0 : i32
    %dma_wait3A_337 = tpu.memref_slice %arg5[%add3A_150, %dma_wait3A_336] : memref<16384x128xf32, #tpu.memory_space<hbm>> -> memref<128x128xf32, #tpu.memory_space<hbm>>
    %dma_wait3A_338 = arith.constant 0 : i32
    %dma_wait3A_339 = tpu.memref_slice %arg5[%add3A_150, %dma_wait3A_338] : memref<16384x128xf32, #tpu.memory_space<hbm>> -> memref<128x128xf32, #tpu.memory_space<hbm>>
    %dma_wait3A_340 = arith.constant 0 : i32
    %dma_wait3A_341 = arith.constant 0 : i32
    %dma_wait3A_342 = tpu.memref_slice %arg8[%dma_wait3A_331, %dma_wait3A_340, %dma_wait3A_341] : memref<3x128x128xf32, #tpu.memory_space<vmem>> -> memref<1x128x128xf32, #tpu.memory_space<vmem>>
    %dma_wait3A_343 = tpu.memref_squeeze %dma_wait3A_342 : memref<1x128x128xf32, #tpu.memory_space<vmem>> -> memref<128x128xf32, #tpu.memory_space<vmem>>
    tpu.wait_dma2 semaphore(%arg17 : memref<!tpu.dma_semaphore, #tpu.memory_space<semaphore_mem>>) src(%dma_wait3A_343 : memref<128x128xf32, #tpu.memory_space<vmem>>) dst(%dma_wait3A_339 : memref<128x128xf32, #tpu.memory_space<hbm>>)
    %dma_wait3A_344 = arith.constant 1 : i32
    %dma_wait3A_345 = arith.constant 0 : i32
    %dma_wait3A_346 = arith.constant 0 : i32
    %dma_wait3A_347 = tpu.memref_slice %arg9[%dma_wait3A_344, %dma_wait3A_345, %dma_wait3A_346] : memref<3x128x128xf32, #tpu.memory_space<vmem>> -> memref<1x128x128xf32, #tpu.memory_space<vmem>>
    %dma_wait3A_348 = tpu.memref_squeeze %dma_wait3A_347 : memref<1x128x128xf32, #tpu.memory_space<vmem>> -> memref<128x128xf32, #tpu.memory_space<vmem>>
    %dma_wait3A_349 = arith.constant 0 : i32
    %dma_wait3A_350 = tpu.memref_slice %arg6[%add3A_150, %dma_wait3A_349] : memref<16384x128xf32, #tpu.memory_space<hbm>> -> memref<128x128xf32, #tpu.memory_space<hbm>>
    %dma_wait3A_351 = arith.constant 0 : i32
    %dma_wait3A_352 = tpu.memref_slice %arg6[%add3A_150, %dma_wait3A_351] : memref<16384x128xf32, #tpu.memory_space<hbm>> -> memref<128x128xf32, #tpu.memory_space<hbm>>
    %dma_wait3A_353 = arith.constant 0 : i32
    %dma_wait3A_354 = arith.constant 0 : i32
    %dma_wait3A_355 = tpu.memref_slice %arg9[%dma_wait3A_344, %dma_wait3A_353, %dma_wait3A_354] : memref<3x128x128xf32, #tpu.memory_space<vmem>> -> memref<1x128x128xf32, #tpu.memory_space<vmem>>
    %dma_wait3A_356 = tpu.memref_squeeze %dma_wait3A_355 : memref<1x128x128xf32, #tpu.memory_space<vmem>> -> memref<128x128xf32, #tpu.memory_space<vmem>>
    tpu.wait_dma2 semaphore(%arg20 : memref<!tpu.dma_semaphore, #tpu.memory_space<semaphore_mem>>) src(%dma_wait3A_356 : memref<128x128xf32, #tpu.memory_space<vmem>>) dst(%dma_wait3A_352 : memref<128x128xf32, #tpu.memory_space<hbm>>)
    %dma_wait3A_357 = arith.constant 2 : i32
    %dma_wait3A_358 = arith.constant 0 : i32
    %dma_wait3A_359 = arith.constant 0 : i32
    %dma_wait3A_360 = tpu.memref_slice %arg8[%dma_wait3A_357, %dma_wait3A_358, %dma_wait3A_359] : memref<3x128x128xf32, #tpu.memory_space<vmem>> -> memref<1x128x128xf32, #tpu.memory_space<vmem>>
    %dma_wait3A_361 = tpu.memref_squeeze %dma_wait3A_360 : memref<1x128x128xf32, #tpu.memory_space<vmem>> -> memref<128x128xf32, #tpu.memory_space<vmem>>
    %dma_wait3A_362 = arith.constant 0 : i32
    %dma_wait3A_363 = tpu.memref_slice %arg5[%add3A_252, %dma_wait3A_362] : memref<16384x128xf32, #tpu.memory_space<hbm>> -> memref<128x128xf32, #tpu.memory_space<hbm>>
    %dma_wait3A_364 = arith.constant 0 : i32
    %dma_wait3A_365 = tpu.memref_slice %arg5[%add3A_252, %dma_wait3A_364] : memref<16384x128xf32, #tpu.memory_space<hbm>> -> memref<128x128xf32, #tpu.memory_space<hbm>>
    %dma_wait3A_366 = arith.constant 0 : i32
    %dma_wait3A_367 = arith.constant 0 : i32
    %dma_wait3A_368 = tpu.memref_slice %arg8[%dma_wait3A_357, %dma_wait3A_366, %dma_wait3A_367] : memref<3x128x128xf32, #tpu.memory_space<vmem>> -> memref<1x128x128xf32, #tpu.memory_space<vmem>>
    %dma_wait3A_369 = tpu.memref_squeeze %dma_wait3A_368 : memref<1x128x128xf32, #tpu.memory_space<vmem>> -> memref<128x128xf32, #tpu.memory_space<vmem>>
    tpu.wait_dma2 semaphore(%arg18 : memref<!tpu.dma_semaphore, #tpu.memory_space<semaphore_mem>>) src(%dma_wait3A_369 : memref<128x128xf32, #tpu.memory_space<vmem>>) dst(%dma_wait3A_365 : memref<128x128xf32, #tpu.memory_space<hbm>>)
    %dma_wait3A_370 = arith.constant 2 : i32
    %dma_wait3A_371 = arith.constant 0 : i32
    %dma_wait3A_372 = arith.constant 0 : i32
    %dma_wait3A_373 = tpu.memref_slice %arg9[%dma_wait3A_370, %dma_wait3A_371, %dma_wait3A_372] : memref<3x128x128xf32, #tpu.memory_space<vmem>> -> memref<1x128x128xf32, #tpu.memory_space<vmem>>
    %dma_wait3A_374 = tpu.memref_squeeze %dma_wait3A_373 : memref<1x128x128xf32, #tpu.memory_space<vmem>> -> memref<128x128xf32, #tpu.memory_space<vmem>>
    %dma_wait3A_375 = arith.constant 0 : i32
    %dma_wait3A_376 = tpu.memref_slice %arg6[%add3A_252, %dma_wait3A_375] : memref<16384x128xf32, #tpu.memory_space<hbm>> -> memref<128x128xf32, #tpu.memory_space<hbm>>
    %dma_wait3A_377 = arith.constant 0 : i32
    %dma_wait3A_378 = tpu.memref_slice %arg6[%add3A_252, %dma_wait3A_377] : memref<16384x128xf32, #tpu.memory_space<hbm>> -> memref<128x128xf32, #tpu.memory_space<hbm>>
    %dma_wait3A_379 = arith.constant 0 : i32
    %dma_wait3A_380 = arith.constant 0 : i32
    %dma_wait3A_381 = tpu.memref_slice %arg9[%dma_wait3A_370, %dma_wait3A_379, %dma_wait3A_380] : memref<3x128x128xf32, #tpu.memory_space<vmem>> -> memref<1x128x128xf32, #tpu.memory_space<vmem>>
    %dma_wait3A_382 = tpu.memref_squeeze %dma_wait3A_381 : memref<1x128x128xf32, #tpu.memory_space<vmem>> -> memref<128x128xf32, #tpu.memory_space<vmem>>
    tpu.wait_dma2 semaphore(%arg21 : memref<!tpu.dma_semaphore, #tpu.memory_space<semaphore_mem>>) src(%dma_wait3A_382 : memref<128x128xf32, #tpu.memory_space<vmem>>) dst(%dma_wait3A_378 : memref<128x128xf32, #tpu.memory_space<hbm>>)
    %dma_wait3A_383 = arith.constant 0 : i32
    %dma_wait3A_384 = arith.constant 0 : i32
    %dma_wait3A_385 = arith.constant 0 : i32
    %dma_wait3A_386 = tpu.memref_slice %arg8[%dma_wait3A_383, %dma_wait3A_384, %dma_wait3A_385] : memref<3x128x128xf32, #tpu.memory_space<vmem>> -> memref<1x128x128xf32, #tpu.memory_space<vmem>>
    %dma_wait3A_387 = tpu.memref_squeeze %dma_wait3A_386 : memref<1x128x128xf32, #tpu.memory_space<vmem>> -> memref<128x128xf32, #tpu.memory_space<vmem>>
    %dma_wait3A_388 = arith.constant 0 : i32
    %dma_wait3A_389 = tpu.memref_slice %arg5[%add3A_304, %dma_wait3A_388] : memref<16384x128xf32, #tpu.memory_space<hbm>> -> memref<128x128xf32, #tpu.memory_space<hbm>>
    %dma_wait3A_390 = arith.constant 0 : i32
    %dma_wait3A_391 = tpu.memref_slice %arg5[%add3A_304, %dma_wait3A_390] : memref<16384x128xf32, #tpu.memory_space<hbm>> -> memref<128x128xf32, #tpu.memory_space<hbm>>
    %dma_wait3A_392 = arith.constant 0 : i32
    %dma_wait3A_393 = arith.constant 0 : i32
    %dma_wait3A_394 = tpu.memref_slice %arg8[%dma_wait3A_383, %dma_wait3A_392, %dma_wait3A_393] : memref<3x128x128xf32, #tpu.memory_space<vmem>> -> memref<1x128x128xf32, #tpu.memory_space<vmem>>
    %dma_wait3A_395 = tpu.memref_squeeze %dma_wait3A_394 : memref<1x128x128xf32, #tpu.memory_space<vmem>> -> memref<128x128xf32, #tpu.memory_space<vmem>>
    tpu.wait_dma2 semaphore(%arg16 : memref<!tpu.dma_semaphore, #tpu.memory_space<semaphore_mem>>) src(%dma_wait3A_395 : memref<128x128xf32, #tpu.memory_space<vmem>>) dst(%dma_wait3A_391 : memref<128x128xf32, #tpu.memory_space<hbm>>)
    %dma_wait3A_396 = arith.constant 0 : i32
    %dma_wait3A_397 = arith.constant 0 : i32
    %dma_wait3A_398 = arith.constant 0 : i32
    %dma_wait3A_399 = tpu.memref_slice %arg9[%dma_wait3A_396, %dma_wait3A_397, %dma_wait3A_398] : memref<3x128x128xf32, #tpu.memory_space<vmem>> -> memref<1x128x128xf32, #tpu.memory_space<vmem>>
    %dma_wait3A_400 = tpu.memref_squeeze %dma_wait3A_399 : memref<1x128x128xf32, #tpu.memory_space<vmem>> -> memref<128x128xf32, #tpu.memory_space<vmem>>
    %dma_wait3A_401 = arith.constant 0 : i32
    %dma_wait3A_402 = tpu.memref_slice %arg6[%add3A_304, %dma_wait3A_401] : memref<16384x128xf32, #tpu.memory_space<hbm>> -> memref<128x128xf32, #tpu.memory_space<hbm>>
    %dma_wait3A_403 = arith.constant 0 : i32
    %dma_wait3A_404 = tpu.memref_slice %arg6[%add3A_304, %dma_wait3A_403] : memref<16384x128xf32, #tpu.memory_space<hbm>> -> memref<128x128xf32, #tpu.memory_space<hbm>>
    %dma_wait3A_405 = arith.constant 0 : i32
    %dma_wait3A_406 = arith.constant 0 : i32
    %dma_wait3A_407 = tpu.memref_slice %arg9[%dma_wait3A_396, %dma_wait3A_405, %dma_wait3A_406] : memref<3x128x128xf32, #tpu.memory_space<vmem>> -> memref<1x128x128xf32, #tpu.memory_space<vmem>>
    %dma_wait3A_408 = tpu.memref_squeeze %dma_wait3A_407 : memref<1x128x128xf32, #tpu.memory_space<vmem>> -> memref<128x128xf32, #tpu.memory_space<vmem>>
    tpu.wait_dma2 semaphore(%arg19 : memref<!tpu.dma_semaphore, #tpu.memory_space<semaphore_mem>>) src(%dma_wait3A_408 : memref<128x128xf32, #tpu.memory_space<vmem>>) dst(%dma_wait3A_404 : memref<128x128xf32, #tpu.memory_space<hbm>>)
    return
  }
}

#map = affine_map<(d0, d1) -> (0, 0)>
#map1 = affine_map<(d0, d1) -> (0, 0, 0)>
module attributes {stable_mosaic.version = 14 : i64} {
  func.func @gather_k(%arg0: i32, %arg1: i32, %arg2: memref<50000x128xf32, #tpu.memory_space<hbm>>, %arg3: memref<50000x128xf32, #tpu.memory_space<hbm>>, %arg4: memref<32x4x128xi32, #tpu.memory_space<hbm>>, %arg5: memref<16384x128xf32, #tpu.memory_space<hbm>>, %arg6: memref<16384x128xf32, #tpu.memory_space<hbm>>, %arg7: memref<4x128xi32, #tpu.memory_space<vmem>>, %arg8: memref<3x128x128xf32, #tpu.memory_space<vmem>>, %arg9: memref<3x128x128xf32, #tpu.memory_space<vmem>>, %arg10: memref<!tpu.dma_semaphore, #tpu.memory_space<semaphore_mem>>, %arg11: memref<!tpu.dma_semaphore, #tpu.memory_space<semaphore_mem>>, %arg12: memref<!tpu.dma_semaphore, #tpu.memory_space<semaphore_mem>>, %arg13: memref<!tpu.dma_semaphore, #tpu.memory_space<semaphore_mem>>, %arg14: memref<!tpu.dma_semaphore, #tpu.memory_space<semaphore_mem>>, %arg15: memref<!tpu.dma_semaphore, #tpu.memory_space<semaphore_mem>>, %arg16: memref<!tpu.dma_semaphore, #tpu.memory_space<semaphore_mem>>, %arg17: memref<!tpu.dma_semaphore, #tpu.memory_space<semaphore_mem>>, %arg18: memref<!tpu.dma_semaphore, #tpu.memory_space<semaphore_mem>>, %arg19: memref<!tpu.dma_semaphore, #tpu.memory_space<semaphore_mem>>, %arg20: memref<!tpu.dma_semaphore, #tpu.memory_space<semaphore_mem>>, %arg21: memref<!tpu.dma_semaphore, #tpu.memory_space<semaphore_mem>>) attributes {dimension_semantics = [#tpu.dimension_semantics<core_parallel>, #tpu.dimension_semantics<subcore_parallel>], iteration_bounds = array<i64: 2, 16>, scalar_prefetch = 0 : i64, scratch_operands = 15 : i64, tpu.core_type = #tpu.core_type<sc_vector_subcore>, window_params = [{transform_indices = #map}, {transform_indices = #map}, {transform_indices = #map1}, {transform_indices = #map}, {transform_indices = #map}]} {
    %mul3A = arith.constant 2 : i32
    %mul3A_0 = arith.muli %arg1, %mul3A : i32
    %add3A = arith.addi %mul3A_0, %arg0 : i32
    "tpu.region"() ({
      %run_scoped3A = tpu.sem_alloc : memref<!tpu.dma_semaphore, #tpu.memory_space<semaphore_mem>>
      %dma_start3A_409 = arith.constant 0 : i32
      %dma_start3A_410 = arith.constant 0 : i32
      %dma_start3A_411 = tpu.memref_slice %arg4[%add3A, %dma_start3A_409, %dma_start3A_410] : memref<32x4x128xi32, #tpu.memory_space<hbm>> -> memref<1x4x128xi32, #tpu.memory_space<hbm>>
      %dma_start3A_412 = tpu.memref_squeeze %dma_start3A_411 : memref<1x4x128xi32, #tpu.memory_space<hbm>> -> memref<4x128xi32, #tpu.memory_space<hbm>>
      %dma_start3A_413 = arith.constant 0 : i32
      %dma_start3A_414 = arith.constant 0 : i32
      %dma_start3A_415 = tpu.memref_slice %arg4[%add3A, %dma_start3A_413, %dma_start3A_414] : memref<32x4x128xi32, #tpu.memory_space<hbm>> -> memref<1x4x128xi32, #tpu.memory_space<hbm>>
      %dma_start3A_416 = tpu.memref_squeeze %dma_start3A_415 : memref<1x4x128xi32, #tpu.memory_space<hbm>> -> memref<4x128xi32, #tpu.memory_space<hbm>>
      tpu.enqueue_dma source(%dma_start3A_416 : memref<4x128xi32, #tpu.memory_space<hbm>>) target(%arg7 : memref<4x128xi32, #tpu.memory_space<vmem>>) target_semaphore(%run_scoped3A : memref<!tpu.dma_semaphore, #tpu.memory_space<semaphore_mem>>)
      %dma_wait3A_417 = arith.constant 0 : i32
      %dma_wait3A_418 = arith.constant 0 : i32
      %dma_wait3A_419 = tpu.memref_slice %arg4[%add3A, %dma_wait3A_417, %dma_wait3A_418] : memref<32x4x128xi32, #tpu.memory_space<hbm>> -> memref<1x4x128xi32, #tpu.memory_space<hbm>>
      %dma_wait3A_420 = tpu.memref_squeeze %dma_wait3A_419 : memref<1x4x128xi32, #tpu.memory_space<hbm>> -> memref<4x128xi32, #tpu.memory_space<hbm>>
      %dma_wait3A_421 = arith.constant 0 : i32
      %dma_wait3A_422 = arith.constant 0 : i32
      %dma_wait3A_423 = tpu.memref_slice %arg4[%add3A, %dma_wait3A_421, %dma_wait3A_422] : memref<32x4x128xi32, #tpu.memory_space<hbm>> -> memref<1x4x128xi32, #tpu.memory_space<hbm>>
      %dma_wait3A_424 = tpu.memref_squeeze %dma_wait3A_423 : memref<1x4x128xi32, #tpu.memory_space<hbm>> -> memref<4x128xi32, #tpu.memory_space<hbm>>
      tpu.wait_dma2 semaphore(%run_scoped3A : memref<!tpu.dma_semaphore, #tpu.memory_space<semaphore_mem>>) src(%dma_wait3A_424 : memref<4x128xi32, #tpu.memory_space<hbm>>) dst(%arg7 : memref<4x128xi32, #tpu.memory_space<vmem>>)
      tpu.yield
    }) : () -> ()
    %mul3A_1 = arith.constant 512 : i32
    %mul3A_2 = arith.muli %add3A, %mul3A_1 : i32
    %dma_start3A = arith.constant 0 : i32
    %dma_start3A_3 = arith.constant 0 : i32
    %dma_start3A_4 = arith.constant 0 : i32
    %dma_start3A_5 = arith.constant 0 : i32
    %dma_start3A_6 = tpu.memref_slice %arg8[%dma_start3A_3, %dma_start3A_4, %dma_start3A_5] : memref<3x128x128xf32, #tpu.memory_space<vmem>> -> memref<1x128x128xf32, #tpu.memory_space<vmem>>
    %dma_start3A_7 = tpu.memref_squeeze %dma_start3A_6 : memref<1x128x128xf32, #tpu.memory_space<vmem>> -> memref<128x128xf32, #tpu.memory_space<vmem>>
    %dma_start3A_8 = arith.constant 0 : i32
    %dma_start3A_9 = tpu.memref_slice %arg7[%dma_start3A, %dma_start3A_8] : memref<4x128xi32, #tpu.memory_space<vmem>> -> memref<1x128xi32, #tpu.memory_space<vmem>>
    %dma_start3A_10 = tpu.memref_squeeze %dma_start3A_9 : memref<1x128xi32, #tpu.memory_space<vmem>> -> memref<128xi32, #tpu.memory_space<vmem>>
    %dma_start3A_11 = arith.constant 0 : i32
    %dma_start3A_12 = arith.constant 0 : i32
    %dma_start3A_13 = tpu.memref_slice %arg2[%dma_start3A_11, %dma_start3A_12] : memref<50000x128xf32, #tpu.memory_space<hbm>> -> memref<50000x128xf32, #tpu.memory_space<hbm>>
    tpu.enqueue_indirect_dma source(%dma_start3A_13 : memref<50000x128xf32, #tpu.memory_space<hbm>>) target(%dma_start3A_7 : memref<128x128xf32, #tpu.memory_space<vmem>>) offsets(%dma_start3A_10 : memref<128xi32, #tpu.memory_space<vmem>>) semaphore(%arg10 : memref<!tpu.dma_semaphore, #tpu.memory_space<semaphore_mem>>)
    %dma_start3A_14 = arith.constant 0 : i32
    %dma_start3A_15 = arith.constant 0 : i32
    %dma_start3A_16 = arith.constant 0 : i32
    %dma_start3A_17 = arith.constant 0 : i32
    %dma_start3A_18 = tpu.memref_slice %arg9[%dma_start3A_15, %dma_start3A_16, %dma_start3A_17] : memref<3x128x128xf32, #tpu.memory_space<vmem>> -> memref<1x128x128xf32, #tpu.memory_space<vmem>>
    %dma_start3A_19 = tpu.memref_squeeze %dma_start3A_18 : memref<1x128x128xf32, #tpu.memory_space<vmem>> -> memref<128x128xf32, #tpu.memory_space<vmem>>
    %dma_start3A_20 = arith.constant 0 : i32
    %dma_start3A_21 = tpu.memref_slice %arg7[%dma_start3A_14, %dma_start3A_20] : memref<4x128xi32, #tpu.memory_space<vmem>> -> memref<1x128xi32, #tpu.memory_space<vmem>>
    %dma_start3A_22 = tpu.memref_squeeze %dma_start3A_21 : memref<1x128xi32, #tpu.memory_space<vmem>> -> memref<128xi32, #tpu.memory_space<vmem>>
    %dma_start3A_23 = arith.constant 0 : i32
    %dma_start3A_24 = arith.constant 0 : i32
    %dma_start3A_25 = tpu.memref_slice %arg3[%dma_start3A_23, %dma_start3A_24] : memref<50000x128xf32, #tpu.memory_space<hbm>> -> memref<50000x128xf32, #tpu.memory_space<hbm>>
    tpu.enqueue_indirect_dma source(%dma_start3A_25 : memref<50000x128xf32, #tpu.memory_space<hbm>>) target(%dma_start3A_19 : memref<128x128xf32, #tpu.memory_space<vmem>>) offsets(%dma_start3A_22 : memref<128xi32, #tpu.memory_space<vmem>>) semaphore(%arg13 : memref<!tpu.dma_semaphore, #tpu.memory_space<semaphore_mem>>)
    %dma_start3A_26 = arith.constant 1 : i32
    %dma_start3A_27 = arith.constant 1 : i32
    %dma_start3A_28 = arith.constant 0 : i32
    %dma_start3A_29 = arith.constant 0 : i32
    %dma_start3A_30 = tpu.memref_slice %arg8[%dma_start3A_27, %dma_start3A_28, %dma_start3A_29] : memref<3x128x128xf32, #tpu.memory_space<vmem>> -> memref<1x128x128xf32, #tpu.memory_space<vmem>>
    %dma_start3A_31 = tpu.memref_squeeze %dma_start3A_30 : memref<1x128x128xf32, #tpu.memory_space<vmem>> -> memref<128x128xf32, #tpu.memory_space<vmem>>
    %dma_start3A_32 = arith.constant 0 : i32
    %dma_start3A_33 = tpu.memref_slice %arg7[%dma_start3A_26, %dma_start3A_32] : memref<4x128xi32, #tpu.memory_space<vmem>> -> memref<1x128xi32, #tpu.memory_space<vmem>>
    %dma_start3A_34 = tpu.memref_squeeze %dma_start3A_33 : memref<1x128xi32, #tpu.memory_space<vmem>> -> memref<128xi32, #tpu.memory_space<vmem>>
    %dma_start3A_35 = arith.constant 0 : i32
    %dma_start3A_36 = arith.constant 0 : i32
    %dma_start3A_37 = tpu.memref_slice %arg2[%dma_start3A_35, %dma_start3A_36] : memref<50000x128xf32, #tpu.memory_space<hbm>> -> memref<50000x128xf32, #tpu.memory_space<hbm>>
    tpu.enqueue_indirect_dma source(%dma_start3A_37 : memref<50000x128xf32, #tpu.memory_space<hbm>>) target(%dma_start3A_31 : memref<128x128xf32, #tpu.memory_space<vmem>>) offsets(%dma_start3A_34 : memref<128xi32, #tpu.memory_space<vmem>>) semaphore(%arg11 : memref<!tpu.dma_semaphore, #tpu.memory_space<semaphore_mem>>)
    %dma_start3A_38 = arith.constant 1 : i32
    %dma_start3A_39 = arith.constant 1 : i32
    %dma_start3A_40 = arith.constant 0 : i32
    %dma_start3A_41 = arith.constant 0 : i32
    %dma_start3A_42 = tpu.memref_slice %arg9[%dma_start3A_39, %dma_start3A_40, %dma_start3A_41] : memref<3x128x128xf32, #tpu.memory_space<vmem>> -> memref<1x128x128xf32, #tpu.memory_space<vmem>>
    %dma_start3A_43 = tpu.memref_squeeze %dma_start3A_42 : memref<1x128x128xf32, #tpu.memory_space<vmem>> -> memref<128x128xf32, #tpu.memory_space<vmem>>
    %dma_start3A_44 = arith.constant 0 : i32
    %dma_start3A_45 = tpu.memref_slice %arg7[%dma_start3A_38, %dma_start3A_44] : memref<4x128xi32, #tpu.memory_space<vmem>> -> memref<1x128xi32, #tpu.memory_space<vmem>>
    %dma_start3A_46 = tpu.memref_squeeze %dma_start3A_45 : memref<1x128xi32, #tpu.memory_space<vmem>> -> memref<128xi32, #tpu.memory_space<vmem>>
    %dma_start3A_47 = arith.constant 0 : i32
    %dma_start3A_48 = arith.constant 0 : i32
    %dma_start3A_49 = tpu.memref_slice %arg3[%dma_start3A_47, %dma_start3A_48] : memref<50000x128xf32, #tpu.memory_space<hbm>> -> memref<50000x128xf32, #tpu.memory_space<hbm>>
    tpu.enqueue_indirect_dma source(%dma_start3A_49 : memref<50000x128xf32, #tpu.memory_space<hbm>>) target(%dma_start3A_43 : memref<128x128xf32, #tpu.memory_space<vmem>>) offsets(%dma_start3A_46 : memref<128xi32, #tpu.memory_space<vmem>>) semaphore(%arg14 : memref<!tpu.dma_semaphore, #tpu.memory_space<semaphore_mem>>)
    %dma_wait3A = arith.constant 0 : i32
    %dma_wait3A_50 = arith.constant 0 : i32
    %dma_wait3A_51 = arith.constant 0 : i32
    %dma_wait3A_52 = arith.constant 0 : i32
    %dma_wait3A_53 = tpu.memref_slice %arg8[%dma_wait3A_50, %dma_wait3A_51, %dma_wait3A_52] : memref<3x128x128xf32, #tpu.memory_space<vmem>> -> memref<1x128x128xf32, #tpu.memory_space<vmem>>
    %dma_wait3A_54 = tpu.memref_squeeze %dma_wait3A_53 : memref<1x128x128xf32, #tpu.memory_space<vmem>> -> memref<128x128xf32, #tpu.memory_space<vmem>>
    %dma_wait3A_55 = arith.constant 0 : i32
    %dma_wait3A_56 = tpu.memref_slice %arg7[%dma_wait3A, %dma_wait3A_55] : memref<4x128xi32, #tpu.memory_space<vmem>> -> memref<1x128xi32, #tpu.memory_space<vmem>>
    %dma_wait3A_57 = tpu.memref_squeeze %dma_wait3A_56 : memref<1x128xi32, #tpu.memory_space<vmem>> -> memref<128xi32, #tpu.memory_space<vmem>>
    %dma_wait3A_58 = arith.constant 0 : i32
    %dma_wait3A_59 = arith.constant 0 : i32
    %dma_wait3A_60 = tpu.memref_slice %arg2[%dma_wait3A_58, %dma_wait3A_59] : memref<50000x128xf32, #tpu.memory_space<hbm>> -> memref<50000x128xf32, #tpu.memory_space<hbm>>
    tpu.wait_indirect_dma semaphore(%arg10 : memref<!tpu.dma_semaphore, #tpu.memory_space<semaphore_mem>>) src(%dma_wait3A_60 : memref<50000x128xf32, #tpu.memory_space<hbm>>) dst(%dma_wait3A_54 : memref<128x128xf32, #tpu.memory_space<vmem>>)
    %dma_wait3A_61 = arith.constant 0 : i32
    %dma_wait3A_62 = arith.constant 0 : i32
    %dma_wait3A_63 = arith.constant 0 : i32
    %dma_wait3A_64 = arith.constant 0 : i32
    %dma_wait3A_65 = tpu.memref_slice %arg9[%dma_wait3A_62, %dma_wait3A_63, %dma_wait3A_64] : memref<3x128x128xf32, #tpu.memory_space<vmem>> -> memref<1x128x128xf32, #tpu.memory_space<vmem>>
    %dma_wait3A_66 = tpu.memref_squeeze %dma_wait3A_65 : memref<1x128x128xf32, #tpu.memory_space<vmem>> -> memref<128x128xf32, #tpu.memory_space<vmem>>
    %dma_wait3A_67 = arith.constant 0 : i32
    %dma_wait3A_68 = tpu.memref_slice %arg7[%dma_wait3A_61, %dma_wait3A_67] : memref<4x128xi32, #tpu.memory_space<vmem>> -> memref<1x128xi32, #tpu.memory_space<vmem>>
    %dma_wait3A_69 = tpu.memref_squeeze %dma_wait3A_68 : memref<1x128xi32, #tpu.memory_space<vmem>> -> memref<128xi32, #tpu.memory_space<vmem>>
    %dma_wait3A_70 = arith.constant 0 : i32
    %dma_wait3A_71 = arith.constant 0 : i32
    %dma_wait3A_72 = tpu.memref_slice %arg3[%dma_wait3A_70, %dma_wait3A_71] : memref<50000x128xf32, #tpu.memory_space<hbm>> -> memref<50000x128xf32, #tpu.memory_space<hbm>>
    tpu.wait_indirect_dma semaphore(%arg13 : memref<!tpu.dma_semaphore, #tpu.memory_space<semaphore_mem>>) src(%dma_wait3A_72 : memref<50000x128xf32, #tpu.memory_space<hbm>>) dst(%dma_wait3A_66 : memref<128x128xf32, #tpu.memory_space<vmem>>)
    %add3A_73 = arith.constant 0 : i32
    %add3A_74 = arith.addi %mul3A_2, %add3A_73 : i32
    %dma_start3A_75 = arith.constant 0 : i32
    %dma_start3A_76 = arith.constant 0 : i32
    %dma_start3A_77 = arith.constant 0 : i32
    %dma_start3A_78 = tpu.memref_slice %arg8[%dma_start3A_75, %dma_start3A_76, %dma_start3A_77] : memref<3x128x128xf32, #tpu.memory_space<vmem>> -> memref<1x128x128xf32, #tpu.memory_space<vmem>>
    %dma_start3A_79 = tpu.memref_squeeze %dma_start3A_78 : memref<1x128x128xf32, #tpu.memory_space<vmem>> -> memref<128x128xf32, #tpu.memory_space<vmem>>
    %dma_start3A_80 = arith.constant 0 : i32
    %dma_start3A_81 = tpu.memref_slice %arg5[%add3A_74, %dma_start3A_80] : memref<16384x128xf32, #tpu.memory_space<hbm>> -> memref<128x128xf32, #tpu.memory_space<hbm>>
    %dma_start3A_82 = arith.constant 0 : i32
    %dma_start3A_83 = tpu.memref_slice %arg5[%add3A_74, %dma_start3A_82] : memref<16384x128xf32, #tpu.memory_space<hbm>> -> memref<128x128xf32, #tpu.memory_space<hbm>>
    %dma_start3A_84 = arith.constant 0 : i32
    %dma_start3A_85 = arith.constant 0 : i32
    %dma_start3A_86 = tpu.memref_slice %arg8[%dma_start3A_75, %dma_start3A_84, %dma_start3A_85] : memref<3x128x128xf32, #tpu.memory_space<vmem>> -> memref<1x128x128xf32, #tpu.memory_space<vmem>>
    %dma_start3A_87 = tpu.memref_squeeze %dma_start3A_86 : memref<1x128x128xf32, #tpu.memory_space<vmem>> -> memref<128x128xf32, #tpu.memory_space<vmem>>
    tpu.enqueue_dma source(%dma_start3A_87 : memref<128x128xf32, #tpu.memory_space<vmem>>) target(%dma_start3A_83 : memref<128x128xf32, #tpu.memory_space<hbm>>) target_semaphore(%arg16 : memref<!tpu.dma_semaphore, #tpu.memory_space<semaphore_mem>>)
    %dma_start3A_88 = arith.constant 0 : i32
    %dma_start3A_89 = arith.constant 0 : i32
    %dma_start3A_90 = arith.constant 0 : i32
    %dma_start3A_91 = tpu.memref_slice %arg9[%dma_start3A_88, %dma_start3A_89, %dma_start3A_90] : memref<3x128x128xf32, #tpu.memory_space<vmem>> -> memref<1x128x128xf32, #tpu.memory_space<vmem>>
    %dma_start3A_92 = tpu.memref_squeeze %dma_start3A_91 : memref<1x128x128xf32, #tpu.memory_space<vmem>> -> memref<128x128xf32, #tpu.memory_space<vmem>>
    %dma_start3A_93 = arith.constant 0 : i32
    %dma_start3A_94 = tpu.memref_slice %arg6[%add3A_74, %dma_start3A_93] : memref<16384x128xf32, #tpu.memory_space<hbm>> -> memref<128x128xf32, #tpu.memory_space<hbm>>
    %dma_start3A_95 = arith.constant 0 : i32
    %dma_start3A_96 = tpu.memref_slice %arg6[%add3A_74, %dma_start3A_95] : memref<16384x128xf32, #tpu.memory_space<hbm>> -> memref<128x128xf32, #tpu.memory_space<hbm>>
    %dma_start3A_97 = arith.constant 0 : i32
    %dma_start3A_98 = arith.constant 0 : i32
    %dma_start3A_99 = tpu.memref_slice %arg9[%dma_start3A_88, %dma_start3A_97, %dma_start3A_98] : memref<3x128x128xf32, #tpu.memory_space<vmem>> -> memref<1x128x128xf32, #tpu.memory_space<vmem>>
    %dma_start3A_100 = tpu.memref_squeeze %dma_start3A_99 : memref<1x128x128xf32, #tpu.memory_space<vmem>> -> memref<128x128xf32, #tpu.memory_space<vmem>>
    tpu.enqueue_dma source(%dma_start3A_100 : memref<128x128xf32, #tpu.memory_space<vmem>>) target(%dma_start3A_96 : memref<128x128xf32, #tpu.memory_space<hbm>>) target_semaphore(%arg19 : memref<!tpu.dma_semaphore, #tpu.memory_space<semaphore_mem>>)
    %dma_start3A_101 = arith.constant 2 : i32
    %dma_start3A_102 = arith.constant 2 : i32
    %dma_start3A_103 = arith.constant 0 : i32
    %dma_start3A_104 = arith.constant 0 : i32
    %dma_start3A_105 = tpu.memref_slice %arg8[%dma_start3A_102, %dma_start3A_103, %dma_start3A_104] : memref<3x128x128xf32, #tpu.memory_space<vmem>> -> memref<1x128x128xf32, #tpu.memory_space<vmem>>
    %dma_start3A_106 = tpu.memref_squeeze %dma_start3A_105 : memref<1x128x128xf32, #tpu.memory_space<vmem>> -> memref<128x128xf32, #tpu.memory_space<vmem>>
    %dma_start3A_107 = arith.constant 0 : i32
    %dma_start3A_108 = tpu.memref_slice %arg7[%dma_start3A_101, %dma_start3A_107] : memref<4x128xi32, #tpu.memory_space<vmem>> -> memref<1x128xi32, #tpu.memory_space<vmem>>
    %dma_start3A_109 = tpu.memref_squeeze %dma_start3A_108 : memref<1x128xi32, #tpu.memory_space<vmem>> -> memref<128xi32, #tpu.memory_space<vmem>>
    %dma_start3A_110 = arith.constant 0 : i32
    %dma_start3A_111 = arith.constant 0 : i32
    %dma_start3A_112 = tpu.memref_slice %arg2[%dma_start3A_110, %dma_start3A_111] : memref<50000x128xf32, #tpu.memory_space<hbm>> -> memref<50000x128xf32, #tpu.memory_space<hbm>>
    tpu.enqueue_indirect_dma source(%dma_start3A_112 : memref<50000x128xf32, #tpu.memory_space<hbm>>) target(%dma_start3A_106 : memref<128x128xf32, #tpu.memory_space<vmem>>) offsets(%dma_start3A_109 : memref<128xi32, #tpu.memory_space<vmem>>) semaphore(%arg12 : memref<!tpu.dma_semaphore, #tpu.memory_space<semaphore_mem>>)
    %dma_start3A_113 = arith.constant 2 : i32
    %dma_start3A_114 = arith.constant 2 : i32
    %dma_start3A_115 = arith.constant 0 : i32
    %dma_start3A_116 = arith.constant 0 : i32
    %dma_start3A_117 = tpu.memref_slice %arg9[%dma_start3A_114, %dma_start3A_115, %dma_start3A_116] : memref<3x128x128xf32, #tpu.memory_space<vmem>> -> memref<1x128x128xf32, #tpu.memory_space<vmem>>
    %dma_start3A_118 = tpu.memref_squeeze %dma_start3A_117 : memref<1x128x128xf32, #tpu.memory_space<vmem>> -> memref<128x128xf32, #tpu.memory_space<vmem>>
    %dma_start3A_119 = arith.constant 0 : i32
    %dma_start3A_120 = tpu.memref_slice %arg7[%dma_start3A_113, %dma_start3A_119] : memref<4x128xi32, #tpu.memory_space<vmem>> -> memref<1x128xi32, #tpu.memory_space<vmem>>
    %dma_start3A_121 = tpu.memref_squeeze %dma_start3A_120 : memref<1x128xi32, #tpu.memory_space<vmem>> -> memref<128xi32, #tpu.memory_space<vmem>>
    %dma_start3A_122 = arith.constant 0 : i32
    %dma_start3A_123 = arith.constant 0 : i32
    %dma_start3A_124 = tpu.memref_slice %arg3[%dma_start3A_122, %dma_start3A_123] : memref<50000x128xf32, #tpu.memory_space<hbm>> -> memref<50000x128xf32, #tpu.memory_space<hbm>>
    tpu.enqueue_indirect_dma source(%dma_start3A_124 : memref<50000x128xf32, #tpu.memory_space<hbm>>) target(%dma_start3A_118 : memref<128x128xf32, #tpu.memory_space<vmem>>) offsets(%dma_start3A_121 : memref<128xi32, #tpu.memory_space<vmem>>) semaphore(%arg15 : memref<!tpu.dma_semaphore, #tpu.memory_space<semaphore_mem>>)
    %dma_wait3A_125 = arith.constant 1 : i32
    %dma_wait3A_126 = arith.constant 1 : i32
    %dma_wait3A_127 = arith.constant 0 : i32
    %dma_wait3A_128 = arith.constant 0 : i32
    %dma_wait3A_129 = tpu.memref_slice %arg8[%dma_wait3A_126, %dma_wait3A_127, %dma_wait3A_128] : memref<3x128x128xf32, #tpu.memory_space<vmem>> -> memref<1x128x128xf32, #tpu.memory_space<vmem>>
    %dma_wait3A_130 = tpu.memref_squeeze %dma_wait3A_129 : memref<1x128x128xf32, #tpu.memory_space<vmem>> -> memref<128x128xf32, #tpu.memory_space<vmem>>
    %dma_wait3A_131 = arith.constant 0 : i32
    %dma_wait3A_132 = tpu.memref_slice %arg7[%dma_wait3A_125, %dma_wait3A_131] : memref<4x128xi32, #tpu.memory_space<vmem>> -> memref<1x128xi32, #tpu.memory_space<vmem>>
    %dma_wait3A_133 = tpu.memref_squeeze %dma_wait3A_132 : memref<1x128xi32, #tpu.memory_space<vmem>> -> memref<128xi32, #tpu.memory_space<vmem>>
    %dma_wait3A_134 = arith.constant 0 : i32
    %dma_wait3A_135 = arith.constant 0 : i32
    %dma_wait3A_136 = tpu.memref_slice %arg2[%dma_wait3A_134, %dma_wait3A_135] : memref<50000x128xf32, #tpu.memory_space<hbm>> -> memref<50000x128xf32, #tpu.memory_space<hbm>>
    tpu.wait_indirect_dma semaphore(%arg11 : memref<!tpu.dma_semaphore, #tpu.memory_space<semaphore_mem>>) src(%dma_wait3A_136 : memref<50000x128xf32, #tpu.memory_space<hbm>>) dst(%dma_wait3A_130 : memref<128x128xf32, #tpu.memory_space<vmem>>)
    %dma_wait3A_137 = arith.constant 1 : i32
    %dma_wait3A_138 = arith.constant 1 : i32
    %dma_wait3A_139 = arith.constant 0 : i32
    %dma_wait3A_140 = arith.constant 0 : i32
    %dma_wait3A_141 = tpu.memref_slice %arg9[%dma_wait3A_138, %dma_wait3A_139, %dma_wait3A_140] : memref<3x128x128xf32, #tpu.memory_space<vmem>> -> memref<1x128x128xf32, #tpu.memory_space<vmem>>
    %dma_wait3A_142 = tpu.memref_squeeze %dma_wait3A_141 : memref<1x128x128xf32, #tpu.memory_space<vmem>> -> memref<128x128xf32, #tpu.memory_space<vmem>>
    %dma_wait3A_143 = arith.constant 0 : i32
    %dma_wait3A_144 = tpu.memref_slice %arg7[%dma_wait3A_137, %dma_wait3A_143] : memref<4x128xi32, #tpu.memory_space<vmem>> -> memref<1x128xi32, #tpu.memory_space<vmem>>
    %dma_wait3A_145 = tpu.memref_squeeze %dma_wait3A_144 : memref<1x128xi32, #tpu.memory_space<vmem>> -> memref<128xi32, #tpu.memory_space<vmem>>
    %dma_wait3A_146 = arith.constant 0 : i32
    %dma_wait3A_147 = arith.constant 0 : i32
    %dma_wait3A_148 = tpu.memref_slice %arg3[%dma_wait3A_146, %dma_wait3A_147] : memref<50000x128xf32, #tpu.memory_space<hbm>> -> memref<50000x128xf32, #tpu.memory_space<hbm>>
    tpu.wait_indirect_dma semaphore(%arg14 : memref<!tpu.dma_semaphore, #tpu.memory_space<semaphore_mem>>) src(%dma_wait3A_148 : memref<50000x128xf32, #tpu.memory_space<hbm>>) dst(%dma_wait3A_142 : memref<128x128xf32, #tpu.memory_space<vmem>>)
    %add3A_149 = arith.constant 128 : i32
    %add3A_150 = arith.addi %mul3A_2, %add3A_149 : i32
    %dma_start3A_151 = arith.constant 1 : i32
    %dma_start3A_152 = arith.constant 0 : i32
    %dma_start3A_153 = arith.constant 0 : i32
    %dma_start3A_154 = tpu.memref_slice %arg8[%dma_start3A_151, %dma_start3A_152, %dma_start3A_153] : memref<3x128x128xf32, #tpu.memory_space<vmem>> -> memref<1x128x128xf32, #tpu.memory_space<vmem>>
    %dma_start3A_155 = tpu.memref_squeeze %dma_start3A_154 : memref<1x128x128xf32, #tpu.memory_space<vmem>> -> memref<128x128xf32, #tpu.memory_space<vmem>>
    %dma_start3A_156 = arith.constant 0 : i32
    %dma_start3A_157 = tpu.memref_slice %arg5[%add3A_150, %dma_start3A_156] : memref<16384x128xf32, #tpu.memory_space<hbm>> -> memref<128x128xf32, #tpu.memory_space<hbm>>
    %dma_start3A_158 = arith.constant 0 : i32
    %dma_start3A_159 = tpu.memref_slice %arg5[%add3A_150, %dma_start3A_158] : memref<16384x128xf32, #tpu.memory_space<hbm>> -> memref<128x128xf32, #tpu.memory_space<hbm>>
    %dma_start3A_160 = arith.constant 0 : i32
    %dma_start3A_161 = arith.constant 0 : i32
    %dma_start3A_162 = tpu.memref_slice %arg8[%dma_start3A_151, %dma_start3A_160, %dma_start3A_161] : memref<3x128x128xf32, #tpu.memory_space<vmem>> -> memref<1x128x128xf32, #tpu.memory_space<vmem>>
    %dma_start3A_163 = tpu.memref_squeeze %dma_start3A_162 : memref<1x128x128xf32, #tpu.memory_space<vmem>> -> memref<128x128xf32, #tpu.memory_space<vmem>>
    tpu.enqueue_dma source(%dma_start3A_163 : memref<128x128xf32, #tpu.memory_space<vmem>>) target(%dma_start3A_159 : memref<128x128xf32, #tpu.memory_space<hbm>>) target_semaphore(%arg17 : memref<!tpu.dma_semaphore, #tpu.memory_space<semaphore_mem>>)
    %dma_start3A_164 = arith.constant 1 : i32
    %dma_start3A_165 = arith.constant 0 : i32
    %dma_start3A_166 = arith.constant 0 : i32
    %dma_start3A_167 = tpu.memref_slice %arg9[%dma_start3A_164, %dma_start3A_165, %dma_start3A_166] : memref<3x128x128xf32, #tpu.memory_space<vmem>> -> memref<1x128x128xf32, #tpu.memory_space<vmem>>
    %dma_start3A_168 = tpu.memref_squeeze %dma_start3A_167 : memref<1x128x128xf32, #tpu.memory_space<vmem>> -> memref<128x128xf32, #tpu.memory_space<vmem>>
    %dma_start3A_169 = arith.constant 0 : i32
    %dma_start3A_170 = tpu.memref_slice %arg6[%add3A_150, %dma_start3A_169] : memref<16384x128xf32, #tpu.memory_space<hbm>> -> memref<128x128xf32, #tpu.memory_space<hbm>>
    %dma_start3A_171 = arith.constant 0 : i32
    %dma_start3A_172 = tpu.memref_slice %arg6[%add3A_150, %dma_start3A_171] : memref<16384x128xf32, #tpu.memory_space<hbm>> -> memref<128x128xf32, #tpu.memory_space<hbm>>
    %dma_start3A_173 = arith.constant 0 : i32
    %dma_start3A_174 = arith.constant 0 : i32
    %dma_start3A_175 = tpu.memref_slice %arg9[%dma_start3A_164, %dma_start3A_173, %dma_start3A_174] : memref<3x128x128xf32, #tpu.memory_space<vmem>> -> memref<1x128x128xf32, #tpu.memory_space<vmem>>
    %dma_start3A_176 = tpu.memref_squeeze %dma_start3A_175 : memref<1x128x128xf32, #tpu.memory_space<vmem>> -> memref<128x128xf32, #tpu.memory_space<vmem>>
    tpu.enqueue_dma source(%dma_start3A_176 : memref<128x128xf32, #tpu.memory_space<vmem>>) target(%dma_start3A_172 : memref<128x128xf32, #tpu.memory_space<hbm>>) target_semaphore(%arg20 : memref<!tpu.dma_semaphore, #tpu.memory_space<semaphore_mem>>)
    %dma_wait3A_177 = arith.constant 0 : i32
    %dma_wait3A_178 = arith.constant 0 : i32
    %dma_wait3A_179 = arith.constant 0 : i32
    %dma_wait3A_180 = tpu.memref_slice %arg8[%dma_wait3A_177, %dma_wait3A_178, %dma_wait3A_179] : memref<3x128x128xf32, #tpu.memory_space<vmem>> -> memref<1x128x128xf32, #tpu.memory_space<vmem>>
    %dma_wait3A_181 = tpu.memref_squeeze %dma_wait3A_180 : memref<1x128x128xf32, #tpu.memory_space<vmem>> -> memref<128x128xf32, #tpu.memory_space<vmem>>
    %dma_wait3A_182 = arith.constant 0 : i32
    %dma_wait3A_183 = tpu.memref_slice %arg5[%add3A_74, %dma_wait3A_182] : memref<16384x128xf32, #tpu.memory_space<hbm>> -> memref<128x128xf32, #tpu.memory_space<hbm>>
    %dma_wait3A_184 = arith.constant 0 : i32
    %dma_wait3A_185 = tpu.memref_slice %arg5[%add3A_74, %dma_wait3A_184] : memref<16384x128xf32, #tpu.memory_space<hbm>> -> memref<128x128xf32, #tpu.memory_space<hbm>>
    %dma_wait3A_186 = arith.constant 0 : i32
    %dma_wait3A_187 = arith.constant 0 : i32
    %dma_wait3A_188 = tpu.memref_slice %arg8[%dma_wait3A_177, %dma_wait3A_186, %dma_wait3A_187] : memref<3x128x128xf32, #tpu.memory_space<vmem>> -> memref<1x128x128xf32, #tpu.memory_space<vmem>>
    %dma_wait3A_189 = tpu.memref_squeeze %dma_wait3A_188 : memref<1x128x128xf32, #tpu.memory_space<vmem>> -> memref<128x128xf32, #tpu.memory_space<vmem>>
    tpu.wait_dma2 semaphore(%arg16 : memref<!tpu.dma_semaphore, #tpu.memory_space<semaphore_mem>>) src(%dma_wait3A_189 : memref<128x128xf32, #tpu.memory_space<vmem>>) dst(%dma_wait3A_185 : memref<128x128xf32, #tpu.memory_space<hbm>>)
    %dma_wait3A_190 = arith.constant 0 : i32
    %dma_wait3A_191 = arith.constant 0 : i32
    %dma_wait3A_192 = arith.constant 0 : i32
    %dma_wait3A_193 = tpu.memref_slice %arg9[%dma_wait3A_190, %dma_wait3A_191, %dma_wait3A_192] : memref<3x128x128xf32, #tpu.memory_space<vmem>> -> memref<1x128x128xf32, #tpu.memory_space<vmem>>
    %dma_wait3A_194 = tpu.memref_squeeze %dma_wait3A_193 : memref<1x128x128xf32, #tpu.memory_space<vmem>> -> memref<128x128xf32, #tpu.memory_space<vmem>>
    %dma_wait3A_195 = arith.constant 0 : i32
    %dma_wait3A_196 = tpu.memref_slice %arg6[%add3A_74, %dma_wait3A_195] : memref<16384x128xf32, #tpu.memory_space<hbm>> -> memref<128x128xf32, #tpu.memory_space<hbm>>
    %dma_wait3A_197 = arith.constant 0 : i32
    %dma_wait3A_198 = tpu.memref_slice %arg6[%add3A_74, %dma_wait3A_197] : memref<16384x128xf32, #tpu.memory_space<hbm>> -> memref<128x128xf32, #tpu.memory_space<hbm>>
    %dma_wait3A_199 = arith.constant 0 : i32
    %dma_wait3A_200 = arith.constant 0 : i32
    %dma_wait3A_201 = tpu.memref_slice %arg9[%dma_wait3A_190, %dma_wait3A_199, %dma_wait3A_200] : memref<3x128x128xf32, #tpu.memory_space<vmem>> -> memref<1x128x128xf32, #tpu.memory_space<vmem>>
    %dma_wait3A_202 = tpu.memref_squeeze %dma_wait3A_201 : memref<1x128x128xf32, #tpu.memory_space<vmem>> -> memref<128x128xf32, #tpu.memory_space<vmem>>
    tpu.wait_dma2 semaphore(%arg19 : memref<!tpu.dma_semaphore, #tpu.memory_space<semaphore_mem>>) src(%dma_wait3A_202 : memref<128x128xf32, #tpu.memory_space<vmem>>) dst(%dma_wait3A_198 : memref<128x128xf32, #tpu.memory_space<hbm>>)
    %dma_start3A_203 = arith.constant 3 : i32
    %dma_start3A_204 = arith.constant 0 : i32
    %dma_start3A_205 = arith.constant 0 : i32
    %dma_start3A_206 = arith.constant 0 : i32
    %dma_start3A_207 = tpu.memref_slice %arg8[%dma_start3A_204, %dma_start3A_205, %dma_start3A_206] : memref<3x128x128xf32, #tpu.memory_space<vmem>> -> memref<1x128x128xf32, #tpu.memory_space<vmem>>
    %dma_start3A_208 = tpu.memref_squeeze %dma_start3A_207 : memref<1x128x128xf32, #tpu.memory_space<vmem>> -> memref<128x128xf32, #tpu.memory_space<vmem>>
    %dma_start3A_209 = arith.constant 0 : i32
    %dma_start3A_210 = tpu.memref_slice %arg7[%dma_start3A_203, %dma_start3A_209] : memref<4x128xi32, #tpu.memory_space<vmem>> -> memref<1x128xi32, #tpu.memory_space<vmem>>
    %dma_start3A_211 = tpu.memref_squeeze %dma_start3A_210 : memref<1x128xi32, #tpu.memory_space<vmem>> -> memref<128xi32, #tpu.memory_space<vmem>>
    %dma_start3A_212 = arith.constant 0 : i32
    %dma_start3A_213 = arith.constant 0 : i32
    %dma_start3A_214 = tpu.memref_slice %arg2[%dma_start3A_212, %dma_start3A_213] : memref<50000x128xf32, #tpu.memory_space<hbm>> -> memref<50000x128xf32, #tpu.memory_space<hbm>>
    tpu.enqueue_indirect_dma source(%dma_start3A_214 : memref<50000x128xf32, #tpu.memory_space<hbm>>) target(%dma_start3A_208 : memref<128x128xf32, #tpu.memory_space<vmem>>) offsets(%dma_start3A_211 : memref<128xi32, #tpu.memory_space<vmem>>) semaphore(%arg10 : memref<!tpu.dma_semaphore, #tpu.memory_space<semaphore_mem>>)
    %dma_start3A_215 = arith.constant 3 : i32
    %dma_start3A_216 = arith.constant 0 : i32
    %dma_start3A_217 = arith.constant 0 : i32
    %dma_start3A_218 = arith.constant 0 : i32
    %dma_start3A_219 = tpu.memref_slice %arg9[%dma_start3A_216, %dma_start3A_217, %dma_start3A_218] : memref<3x128x128xf32, #tpu.memory_space<vmem>> -> memref<1x128x128xf32, #tpu.memory_space<vmem>>
    %dma_start3A_220 = tpu.memref_squeeze %dma_start3A_219 : memref<1x128x128xf32, #tpu.memory_space<vmem>> -> memref<128x128xf32, #tpu.memory_space<vmem>>
    %dma_start3A_221 = arith.constant 0 : i32
    %dma_start3A_222 = tpu.memref_slice %arg7[%dma_start3A_215, %dma_start3A_221] : memref<4x128xi32, #tpu.memory_space<vmem>> -> memref<1x128xi32, #tpu.memory_space<vmem>>
    %dma_start3A_223 = tpu.memref_squeeze %dma_start3A_222 : memref<1x128xi32, #tpu.memory_space<vmem>> -> memref<128xi32, #tpu.memory_space<vmem>>
    %dma_start3A_224 = arith.constant 0 : i32
    %dma_start3A_225 = arith.constant 0 : i32
    %dma_start3A_226 = tpu.memref_slice %arg3[%dma_start3A_224, %dma_start3A_225] : memref<50000x128xf32, #tpu.memory_space<hbm>> -> memref<50000x128xf32, #tpu.memory_space<hbm>>
    tpu.enqueue_indirect_dma source(%dma_start3A_226 : memref<50000x128xf32, #tpu.memory_space<hbm>>) target(%dma_start3A_220 : memref<128x128xf32, #tpu.memory_space<vmem>>) offsets(%dma_start3A_223 : memref<128xi32, #tpu.memory_space<vmem>>) semaphore(%arg13 : memref<!tpu.dma_semaphore, #tpu.memory_space<semaphore_mem>>)
    %dma_wait3A_227 = arith.constant 2 : i32
    %dma_wait3A_228 = arith.constant 2 : i32
    %dma_wait3A_229 = arith.constant 0 : i32
    %dma_wait3A_230 = arith.constant 0 : i32
    %dma_wait3A_231 = tpu.memref_slice %arg8[%dma_wait3A_228, %dma_wait3A_229, %dma_wait3A_230] : memref<3x128x128xf32, #tpu.memory_space<vmem>> -> memref<1x128x128xf32, #tpu.memory_space<vmem>>
    %dma_wait3A_232 = tpu.memref_squeeze %dma_wait3A_231 : memref<1x128x128xf32, #tpu.memory_space<vmem>> -> memref<128x128xf32, #tpu.memory_space<vmem>>
    %dma_wait3A_233 = arith.constant 0 : i32
    %dma_wait3A_234 = tpu.memref_slice %arg7[%dma_wait3A_227, %dma_wait3A_233] : memref<4x128xi32, #tpu.memory_space<vmem>> -> memref<1x128xi32, #tpu.memory_space<vmem>>
    %dma_wait3A_235 = tpu.memref_squeeze %dma_wait3A_234 : memref<1x128xi32, #tpu.memory_space<vmem>> -> memref<128xi32, #tpu.memory_space<vmem>>
    %dma_wait3A_236 = arith.constant 0 : i32
    %dma_wait3A_237 = arith.constant 0 : i32
    %dma_wait3A_238 = tpu.memref_slice %arg2[%dma_wait3A_236, %dma_wait3A_237] : memref<50000x128xf32, #tpu.memory_space<hbm>> -> memref<50000x128xf32, #tpu.memory_space<hbm>>
    tpu.wait_indirect_dma semaphore(%arg12 : memref<!tpu.dma_semaphore, #tpu.memory_space<semaphore_mem>>) src(%dma_wait3A_238 : memref<50000x128xf32, #tpu.memory_space<hbm>>) dst(%dma_wait3A_232 : memref<128x128xf32, #tpu.memory_space<vmem>>)
    %dma_wait3A_239 = arith.constant 2 : i32
    %dma_wait3A_240 = arith.constant 2 : i32
    %dma_wait3A_241 = arith.constant 0 : i32
    %dma_wait3A_242 = arith.constant 0 : i32
    %dma_wait3A_243 = tpu.memref_slice %arg9[%dma_wait3A_240, %dma_wait3A_241, %dma_wait3A_242] : memref<3x128x128xf32, #tpu.memory_space<vmem>> -> memref<1x128x128xf32, #tpu.memory_space<vmem>>
    %dma_wait3A_244 = tpu.memref_squeeze %dma_wait3A_243 : memref<1x128x128xf32, #tpu.memory_space<vmem>> -> memref<128x128xf32, #tpu.memory_space<vmem>>
    %dma_wait3A_245 = arith.constant 0 : i32
    %dma_wait3A_246 = tpu.memref_slice %arg7[%dma_wait3A_239, %dma_wait3A_245] : memref<4x128xi32, #tpu.memory_space<vmem>> -> memref<1x128xi32, #tpu.memory_space<vmem>>
    %dma_wait3A_247 = tpu.memref_squeeze %dma_wait3A_246 : memref<1x128xi32, #tpu.memory_space<vmem>> -> memref<128xi32, #tpu.memory_space<vmem>>
    %dma_wait3A_248 = arith.constant 0 : i32
    %dma_wait3A_249 = arith.constant 0 : i32
    %dma_wait3A_250 = tpu.memref_slice %arg3[%dma_wait3A_248, %dma_wait3A_249] : memref<50000x128xf32, #tpu.memory_space<hbm>> -> memref<50000x128xf32, #tpu.memory_space<hbm>>
    tpu.wait_indirect_dma semaphore(%arg15 : memref<!tpu.dma_semaphore, #tpu.memory_space<semaphore_mem>>) src(%dma_wait3A_250 : memref<50000x128xf32, #tpu.memory_space<hbm>>) dst(%dma_wait3A_244 : memref<128x128xf32, #tpu.memory_space<vmem>>)
    %add3A_251 = arith.constant 256 : i32
    %add3A_252 = arith.addi %mul3A_2, %add3A_251 : i32
    %dma_start3A_253 = arith.constant 2 : i32
    %dma_start3A_254 = arith.constant 0 : i32
    %dma_start3A_255 = arith.constant 0 : i32
    %dma_start3A_256 = tpu.memref_slice %arg8[%dma_start3A_253, %dma_start3A_254, %dma_start3A_255] : memref<3x128x128xf32, #tpu.memory_space<vmem>> -> memref<1x128x128xf32, #tpu.memory_space<vmem>>
    %dma_start3A_257 = tpu.memref_squeeze %dma_start3A_256 : memref<1x128x128xf32, #tpu.memory_space<vmem>> -> memref<128x128xf32, #tpu.memory_space<vmem>>
    %dma_start3A_258 = arith.constant 0 : i32
    %dma_start3A_259 = tpu.memref_slice %arg5[%add3A_252, %dma_start3A_258] : memref<16384x128xf32, #tpu.memory_space<hbm>> -> memref<128x128xf32, #tpu.memory_space<hbm>>
    %dma_start3A_260 = arith.constant 0 : i32
    %dma_start3A_261 = tpu.memref_slice %arg5[%add3A_252, %dma_start3A_260] : memref<16384x128xf32, #tpu.memory_space<hbm>> -> memref<128x128xf32, #tpu.memory_space<hbm>>
    %dma_start3A_262 = arith.constant 0 : i32
    %dma_start3A_263 = arith.constant 0 : i32
    %dma_start3A_264 = tpu.memref_slice %arg8[%dma_start3A_253, %dma_start3A_262, %dma_start3A_263] : memref<3x128x128xf32, #tpu.memory_space<vmem>> -> memref<1x128x128xf32, #tpu.memory_space<vmem>>
    %dma_start3A_265 = tpu.memref_squeeze %dma_start3A_264 : memref<1x128x128xf32, #tpu.memory_space<vmem>> -> memref<128x128xf32, #tpu.memory_space<vmem>>
    tpu.enqueue_dma source(%dma_start3A_265 : memref<128x128xf32, #tpu.memory_space<vmem>>) target(%dma_start3A_261 : memref<128x128xf32, #tpu.memory_space<hbm>>) target_semaphore(%arg18 : memref<!tpu.dma_semaphore, #tpu.memory_space<semaphore_mem>>)
    %dma_start3A_266 = arith.constant 2 : i32
    %dma_start3A_267 = arith.constant 0 : i32
    %dma_start3A_268 = arith.constant 0 : i32
    %dma_start3A_269 = tpu.memref_slice %arg9[%dma_start3A_266, %dma_start3A_267, %dma_start3A_268] : memref<3x128x128xf32, #tpu.memory_space<vmem>> -> memref<1x128x128xf32, #tpu.memory_space<vmem>>
    %dma_start3A_270 = tpu.memref_squeeze %dma_start3A_269 : memref<1x128x128xf32, #tpu.memory_space<vmem>> -> memref<128x128xf32, #tpu.memory_space<vmem>>
    %dma_start3A_271 = arith.constant 0 : i32
    %dma_start3A_272 = tpu.memref_slice %arg6[%add3A_252, %dma_start3A_271] : memref<16384x128xf32, #tpu.memory_space<hbm>> -> memref<128x128xf32, #tpu.memory_space<hbm>>
    %dma_start3A_273 = arith.constant 0 : i32
    %dma_start3A_274 = tpu.memref_slice %arg6[%add3A_252, %dma_start3A_273] : memref<16384x128xf32, #tpu.memory_space<hbm>> -> memref<128x128xf32, #tpu.memory_space<hbm>>
    %dma_start3A_275 = arith.constant 0 : i32
    %dma_start3A_276 = arith.constant 0 : i32
    %dma_start3A_277 = tpu.memref_slice %arg9[%dma_start3A_266, %dma_start3A_275, %dma_start3A_276] : memref<3x128x128xf32, #tpu.memory_space<vmem>> -> memref<1x128x128xf32, #tpu.memory_space<vmem>>
    %dma_start3A_278 = tpu.memref_squeeze %dma_start3A_277 : memref<1x128x128xf32, #tpu.memory_space<vmem>> -> memref<128x128xf32, #tpu.memory_space<vmem>>
    tpu.enqueue_dma source(%dma_start3A_278 : memref<128x128xf32, #tpu.memory_space<vmem>>) target(%dma_start3A_274 : memref<128x128xf32, #tpu.memory_space<hbm>>) target_semaphore(%arg21 : memref<!tpu.dma_semaphore, #tpu.memory_space<semaphore_mem>>)
    %dma_wait3A_279 = arith.constant 3 : i32
    %dma_wait3A_280 = arith.constant 0 : i32
    %dma_wait3A_281 = arith.constant 0 : i32
    %dma_wait3A_282 = arith.constant 0 : i32
    %dma_wait3A_283 = tpu.memref_slice %arg8[%dma_wait3A_280, %dma_wait3A_281, %dma_wait3A_282] : memref<3x128x128xf32, #tpu.memory_space<vmem>> -> memref<1x128x128xf32, #tpu.memory_space<vmem>>
    %dma_wait3A_284 = tpu.memref_squeeze %dma_wait3A_283 : memref<1x128x128xf32, #tpu.memory_space<vmem>> -> memref<128x128xf32, #tpu.memory_space<vmem>>
    %dma_wait3A_285 = arith.constant 0 : i32
    %dma_wait3A_286 = tpu.memref_slice %arg7[%dma_wait3A_279, %dma_wait3A_285] : memref<4x128xi32, #tpu.memory_space<vmem>> -> memref<1x128xi32, #tpu.memory_space<vmem>>
    %dma_wait3A_287 = tpu.memref_squeeze %dma_wait3A_286 : memref<1x128xi32, #tpu.memory_space<vmem>> -> memref<128xi32, #tpu.memory_space<vmem>>
    %dma_wait3A_288 = arith.constant 0 : i32
    %dma_wait3A_289 = arith.constant 0 : i32
    %dma_wait3A_290 = tpu.memref_slice %arg2[%dma_wait3A_288, %dma_wait3A_289] : memref<50000x128xf32, #tpu.memory_space<hbm>> -> memref<50000x128xf32, #tpu.memory_space<hbm>>
    tpu.wait_indirect_dma semaphore(%arg10 : memref<!tpu.dma_semaphore, #tpu.memory_space<semaphore_mem>>) src(%dma_wait3A_290 : memref<50000x128xf32, #tpu.memory_space<hbm>>) dst(%dma_wait3A_284 : memref<128x128xf32, #tpu.memory_space<vmem>>)
    %dma_wait3A_291 = arith.constant 3 : i32
    %dma_wait3A_292 = arith.constant 0 : i32
    %dma_wait3A_293 = arith.constant 0 : i32
    %dma_wait3A_294 = arith.constant 0 : i32
    %dma_wait3A_295 = tpu.memref_slice %arg9[%dma_wait3A_292, %dma_wait3A_293, %dma_wait3A_294] : memref<3x128x128xf32, #tpu.memory_space<vmem>> -> memref<1x128x128xf32, #tpu.memory_space<vmem>>
    %dma_wait3A_296 = tpu.memref_squeeze %dma_wait3A_295 : memref<1x128x128xf32, #tpu.memory_space<vmem>> -> memref<128x128xf32, #tpu.memory_space<vmem>>
    %dma_wait3A_297 = arith.constant 0 : i32
    %dma_wait3A_298 = tpu.memref_slice %arg7[%dma_wait3A_291, %dma_wait3A_297] : memref<4x128xi32, #tpu.memory_space<vmem>> -> memref<1x128xi32, #tpu.memory_space<vmem>>
    %dma_wait3A_299 = tpu.memref_squeeze %dma_wait3A_298 : memref<1x128xi32, #tpu.memory_space<vmem>> -> memref<128xi32, #tpu.memory_space<vmem>>
    %dma_wait3A_300 = arith.constant 0 : i32
    %dma_wait3A_301 = arith.constant 0 : i32
    %dma_wait3A_302 = tpu.memref_slice %arg3[%dma_wait3A_300, %dma_wait3A_301] : memref<50000x128xf32, #tpu.memory_space<hbm>> -> memref<50000x128xf32, #tpu.memory_space<hbm>>
    tpu.wait_indirect_dma semaphore(%arg13 : memref<!tpu.dma_semaphore, #tpu.memory_space<semaphore_mem>>) src(%dma_wait3A_302 : memref<50000x128xf32, #tpu.memory_space<hbm>>) dst(%dma_wait3A_296 : memref<128x128xf32, #tpu.memory_space<vmem>>)
    %add3A_303 = arith.constant 384 : i32
    %add3A_304 = arith.addi %mul3A_2, %add3A_303 : i32
    %dma_start3A_305 = arith.constant 0 : i32
    %dma_start3A_306 = arith.constant 0 : i32
    %dma_start3A_307 = arith.constant 0 : i32
    %dma_start3A_308 = tpu.memref_slice %arg8[%dma_start3A_305, %dma_start3A_306, %dma_start3A_307] : memref<3x128x128xf32, #tpu.memory_space<vmem>> -> memref<1x128x128xf32, #tpu.memory_space<vmem>>
    %dma_start3A_309 = tpu.memref_squeeze %dma_start3A_308 : memref<1x128x128xf32, #tpu.memory_space<vmem>> -> memref<128x128xf32, #tpu.memory_space<vmem>>
    %dma_start3A_310 = arith.constant 0 : i32
    %dma_start3A_311 = tpu.memref_slice %arg5[%add3A_304, %dma_start3A_310] : memref<16384x128xf32, #tpu.memory_space<hbm>> -> memref<128x128xf32, #tpu.memory_space<hbm>>
    %dma_start3A_312 = arith.constant 0 : i32
    %dma_start3A_313 = tpu.memref_slice %arg5[%add3A_304, %dma_start3A_312] : memref<16384x128xf32, #tpu.memory_space<hbm>> -> memref<128x128xf32, #tpu.memory_space<hbm>>
    %dma_start3A_314 = arith.constant 0 : i32
    %dma_start3A_315 = arith.constant 0 : i32
    %dma_start3A_316 = tpu.memref_slice %arg8[%dma_start3A_305, %dma_start3A_314, %dma_start3A_315] : memref<3x128x128xf32, #tpu.memory_space<vmem>> -> memref<1x128x128xf32, #tpu.memory_space<vmem>>
    %dma_start3A_317 = tpu.memref_squeeze %dma_start3A_316 : memref<1x128x128xf32, #tpu.memory_space<vmem>> -> memref<128x128xf32, #tpu.memory_space<vmem>>
    tpu.enqueue_dma source(%dma_start3A_317 : memref<128x128xf32, #tpu.memory_space<vmem>>) target(%dma_start3A_313 : memref<128x128xf32, #tpu.memory_space<hbm>>) target_semaphore(%arg16 : memref<!tpu.dma_semaphore, #tpu.memory_space<semaphore_mem>>)
    %dma_start3A_318 = arith.constant 0 : i32
    %dma_start3A_319 = arith.constant 0 : i32
    %dma_start3A_320 = arith.constant 0 : i32
    %dma_start3A_321 = tpu.memref_slice %arg9[%dma_start3A_318, %dma_start3A_319, %dma_start3A_320] : memref<3x128x128xf32, #tpu.memory_space<vmem>> -> memref<1x128x128xf32, #tpu.memory_space<vmem>>
    %dma_start3A_322 = tpu.memref_squeeze %dma_start3A_321 : memref<1x128x128xf32, #tpu.memory_space<vmem>> -> memref<128x128xf32, #tpu.memory_space<vmem>>
    %dma_start3A_323 = arith.constant 0 : i32
    %dma_start3A_324 = tpu.memref_slice %arg6[%add3A_304, %dma_start3A_323] : memref<16384x128xf32, #tpu.memory_space<hbm>> -> memref<128x128xf32, #tpu.memory_space<hbm>>
    %dma_start3A_325 = arith.constant 0 : i32
    %dma_start3A_326 = tpu.memref_slice %arg6[%add3A_304, %dma_start3A_325] : memref<16384x128xf32, #tpu.memory_space<hbm>> -> memref<128x128xf32, #tpu.memory_space<hbm>>
    %dma_start3A_327 = arith.constant 0 : i32
    %dma_start3A_328 = arith.constant 0 : i32
    %dma_start3A_329 = tpu.memref_slice %arg9[%dma_start3A_318, %dma_start3A_327, %dma_start3A_328] : memref<3x128x128xf32, #tpu.memory_space<vmem>> -> memref<1x128x128xf32, #tpu.memory_space<vmem>>
    %dma_start3A_330 = tpu.memref_squeeze %dma_start3A_329 : memref<1x128x128xf32, #tpu.memory_space<vmem>> -> memref<128x128xf32, #tpu.memory_space<vmem>>
    tpu.enqueue_dma source(%dma_start3A_330 : memref<128x128xf32, #tpu.memory_space<vmem>>) target(%dma_start3A_326 : memref<128x128xf32, #tpu.memory_space<hbm>>) target_semaphore(%arg19 : memref<!tpu.dma_semaphore, #tpu.memory_space<semaphore_mem>>)
    %dma_wait3A_331 = arith.constant 1 : i32
    %dma_wait3A_332 = arith.constant 0 : i32
    %dma_wait3A_333 = arith.constant 0 : i32
    %dma_wait3A_334 = tpu.memref_slice %arg8[%dma_wait3A_331, %dma_wait3A_332, %dma_wait3A_333] : memref<3x128x128xf32, #tpu.memory_space<vmem>> -> memref<1x128x128xf32, #tpu.memory_space<vmem>>
    %dma_wait3A_335 = tpu.memref_squeeze %dma_wait3A_334 : memref<1x128x128xf32, #tpu.memory_space<vmem>> -> memref<128x128xf32, #tpu.memory_space<vmem>>
    %dma_wait3A_336 = arith.constant 0 : i32
    %dma_wait3A_337 = tpu.memref_slice %arg5[%add3A_150, %dma_wait3A_336] : memref<16384x128xf32, #tpu.memory_space<hbm>> -> memref<128x128xf32, #tpu.memory_space<hbm>>
    %dma_wait3A_338 = arith.constant 0 : i32
    %dma_wait3A_339 = tpu.memref_slice %arg5[%add3A_150, %dma_wait3A_338] : memref<16384x128xf32, #tpu.memory_space<hbm>> -> memref<128x128xf32, #tpu.memory_space<hbm>>
    %dma_wait3A_340 = arith.constant 0 : i32
    %dma_wait3A_341 = arith.constant 0 : i32
    %dma_wait3A_342 = tpu.memref_slice %arg8[%dma_wait3A_331, %dma_wait3A_340, %dma_wait3A_341] : memref<3x128x128xf32, #tpu.memory_space<vmem>> -> memref<1x128x128xf32, #tpu.memory_space<vmem>>
    %dma_wait3A_343 = tpu.memref_squeeze %dma_wait3A_342 : memref<1x128x128xf32, #tpu.memory_space<vmem>> -> memref<128x128xf32, #tpu.memory_space<vmem>>
    tpu.wait_dma2 semaphore(%arg17 : memref<!tpu.dma_semaphore, #tpu.memory_space<semaphore_mem>>) src(%dma_wait3A_343 : memref<128x128xf32, #tpu.memory_space<vmem>>) dst(%dma_wait3A_339 : memref<128x128xf32, #tpu.memory_space<hbm>>)
    %dma_wait3A_344 = arith.constant 1 : i32
    %dma_wait3A_345 = arith.constant 0 : i32
    %dma_wait3A_346 = arith.constant 0 : i32
    %dma_wait3A_347 = tpu.memref_slice %arg9[%dma_wait3A_344, %dma_wait3A_345, %dma_wait3A_346] : memref<3x128x128xf32, #tpu.memory_space<vmem>> -> memref<1x128x128xf32, #tpu.memory_space<vmem>>
    %dma_wait3A_348 = tpu.memref_squeeze %dma_wait3A_347 : memref<1x128x128xf32, #tpu.memory_space<vmem>> -> memref<128x128xf32, #tpu.memory_space<vmem>>
    %dma_wait3A_349 = arith.constant 0 : i32
    %dma_wait3A_350 = tpu.memref_slice %arg6[%add3A_150, %dma_wait3A_349] : memref<16384x128xf32, #tpu.memory_space<hbm>> -> memref<128x128xf32, #tpu.memory_space<hbm>>
    %dma_wait3A_351 = arith.constant 0 : i32
    %dma_wait3A_352 = tpu.memref_slice %arg6[%add3A_150, %dma_wait3A_351] : memref<16384x128xf32, #tpu.memory_space<hbm>> -> memref<128x128xf32, #tpu.memory_space<hbm>>
    %dma_wait3A_353 = arith.constant 0 : i32
    %dma_wait3A_354 = arith.constant 0 : i32
    %dma_wait3A_355 = tpu.memref_slice %arg9[%dma_wait3A_344, %dma_wait3A_353, %dma_wait3A_354] : memref<3x128x128xf32, #tpu.memory_space<vmem>> -> memref<1x128x128xf32, #tpu.memory_space<vmem>>
    %dma_wait3A_356 = tpu.memref_squeeze %dma_wait3A_355 : memref<1x128x128xf32, #tpu.memory_space<vmem>> -> memref<128x128xf32, #tpu.memory_space<vmem>>
    tpu.wait_dma2 semaphore(%arg20 : memref<!tpu.dma_semaphore, #tpu.memory_space<semaphore_mem>>) src(%dma_wait3A_356 : memref<128x128xf32, #tpu.memory_space<vmem>>) dst(%dma_wait3A_352 : memref<128x128xf32, #tpu.memory_space<hbm>>)
    %dma_wait3A_357 = arith.constant 2 : i32
    %dma_wait3A_358 = arith.constant 0 : i32
    %dma_wait3A_359 = arith.constant 0 : i32
    %dma_wait3A_360 = tpu.memref_slice %arg8[%dma_wait3A_357, %dma_wait3A_358, %dma_wait3A_359] : memref<3x128x128xf32, #tpu.memory_space<vmem>> -> memref<1x128x128xf32, #tpu.memory_space<vmem>>
    %dma_wait3A_361 = tpu.memref_squeeze %dma_wait3A_360 : memref<1x128x128xf32, #tpu.memory_space<vmem>> -> memref<128x128xf32, #tpu.memory_space<vmem>>
    %dma_wait3A_362 = arith.constant 0 : i32
    %dma_wait3A_363 = tpu.memref_slice %arg5[%add3A_252, %dma_wait3A_362] : memref<16384x128xf32, #tpu.memory_space<hbm>> -> memref<128x128xf32, #tpu.memory_space<hbm>>
    %dma_wait3A_364 = arith.constant 0 : i32
    %dma_wait3A_365 = tpu.memref_slice %arg5[%add3A_252, %dma_wait3A_364] : memref<16384x128xf32, #tpu.memory_space<hbm>> -> memref<128x128xf32, #tpu.memory_space<hbm>>
    %dma_wait3A_366 = arith.constant 0 : i32
    %dma_wait3A_367 = arith.constant 0 : i32
    %dma_wait3A_368 = tpu.memref_slice %arg8[%dma_wait3A_357, %dma_wait3A_366, %dma_wait3A_367] : memref<3x128x128xf32, #tpu.memory_space<vmem>> -> memref<1x128x128xf32, #tpu.memory_space<vmem>>
    %dma_wait3A_369 = tpu.memref_squeeze %dma_wait3A_368 : memref<1x128x128xf32, #tpu.memory_space<vmem>> -> memref<128x128xf32, #tpu.memory_space<vmem>>
    tpu.wait_dma2 semaphore(%arg18 : memref<!tpu.dma_semaphore, #tpu.memory_space<semaphore_mem>>) src(%dma_wait3A_369 : memref<128x128xf32, #tpu.memory_space<vmem>>) dst(%dma_wait3A_365 : memref<128x128xf32, #tpu.memory_space<hbm>>)
    %dma_wait3A_370 = arith.constant 2 : i32
    %dma_wait3A_371 = arith.constant 0 : i32
    %dma_wait3A_372 = arith.constant 0 : i32
    %dma_wait3A_373 = tpu.memref_slice %arg9[%dma_wait3A_370, %dma_wait3A_371, %dma_wait3A_372] : memref<3x128x128xf32, #tpu.memory_space<vmem>> -> memref<1x128x128xf32, #tpu.memory_space<vmem>>
    %dma_wait3A_374 = tpu.memref_squeeze %dma_wait3A_373 : memref<1x128x128xf32, #tpu.memory_space<vmem>> -> memref<128x128xf32, #tpu.memory_space<vmem>>
    %dma_wait3A_375 = arith.constant 0 : i32
    %dma_wait3A_376 = tpu.memref_slice %arg6[%add3A_252, %dma_wait3A_375] : memref<16384x128xf32, #tpu.memory_space<hbm>> -> memref<128x128xf32, #tpu.memory_space<hbm>>
    %dma_wait3A_377 = arith.constant 0 : i32
    %dma_wait3A_378 = tpu.memref_slice %arg6[%add3A_252, %dma_wait3A_377] : memref<16384x128xf32, #tpu.memory_space<hbm>> -> memref<128x128xf32, #tpu.memory_space<hbm>>
    %dma_wait3A_379 = arith.constant 0 : i32
    %dma_wait3A_380 = arith.constant 0 : i32
    %dma_wait3A_381 = tpu.memref_slice %arg9[%dma_wait3A_370, %dma_wait3A_379, %dma_wait3A_380] : memref<3x128x128xf32, #tpu.memory_space<vmem>> -> memref<1x128x128xf32, #tpu.memory_space<vmem>>
    %dma_wait3A_382 = tpu.memref_squeeze %dma_wait3A_381 : memref<1x128x128xf32, #tpu.memory_space<vmem>> -> memref<128x128xf32, #tpu.memory_space<vmem>>
    tpu.wait_dma2 semaphore(%arg21 : memref<!tpu.dma_semaphore, #tpu.memory_space<semaphore_mem>>) src(%dma_wait3A_382 : memref<128x128xf32, #tpu.memory_space<vmem>>) dst(%dma_wait3A_378 : memref<128x128xf32, #tpu.memory_space<hbm>>)
    %dma_wait3A_383 = arith.constant 0 : i32
    %dma_wait3A_384 = arith.constant 0 : i32
    %dma_wait3A_385 = arith.constant 0 : i32
    %dma_wait3A_386 = tpu.memref_slice %arg8[%dma_wait3A_383, %dma_wait3A_384, %dma_wait3A_385] : memref<3x128x128xf32, #tpu.memory_space<vmem>> -> memref<1x128x128xf32, #tpu.memory_space<vmem>>
    %dma_wait3A_387 = tpu.memref_squeeze %dma_wait3A_386 : memref<1x128x128xf32, #tpu.memory_space<vmem>> -> memref<128x128xf32, #tpu.memory_space<vmem>>
    %dma_wait3A_388 = arith.constant 0 : i32
    %dma_wait3A_389 = tpu.memref_slice %arg5[%add3A_304, %dma_wait3A_388] : memref<16384x128xf32, #tpu.memory_space<hbm>> -> memref<128x128xf32, #tpu.memory_space<hbm>>
    %dma_wait3A_390 = arith.constant 0 : i32
    %dma_wait3A_391 = tpu.memref_slice %arg5[%add3A_304, %dma_wait3A_390] : memref<16384x128xf32, #tpu.memory_space<hbm>> -> memref<128x128xf32, #tpu.memory_space<hbm>>
    %dma_wait3A_392 = arith.constant 0 : i32
    %dma_wait3A_393 = arith.constant 0 : i32
    %dma_wait3A_394 = tpu.memref_slice %arg8[%dma_wait3A_383, %dma_wait3A_392, %dma_wait3A_393] : memref<3x128x128xf32, #tpu.memory_space<vmem>> -> memref<1x128x128xf32, #tpu.memory_space<vmem>>
    %dma_wait3A_395 = tpu.memref_squeeze %dma_wait3A_394 : memref<1x128x128xf32, #tpu.memory_space<vmem>> -> memref<128x128xf32, #tpu.memory_space<vmem>>
    tpu.wait_dma2 semaphore(%arg16 : memref<!tpu.dma_semaphore, #tpu.memory_space<semaphore_mem>>) src(%dma_wait3A_395 : memref<128x128xf32, #tpu.memory_space<vmem>>) dst(%dma_wait3A_391 : memref<128x128xf32, #tpu.memory_space<hbm>>)
    %dma_wait3A_396 = arith.constant 0 : i32
    %dma_wait3A_397 = arith.constant 0 : i32
    %dma_wait3A_398 = arith.constant 0 : i32
    %dma_wait3A_399 = tpu.memref_slice %arg9[%dma_wait3A_396, %dma_wait3A_397, %dma_wait3A_398] : memref<3x128x128xf32, #tpu.memory_space<vmem>> -> memref<1x128x128xf32, #tpu.memory_space<vmem>>
    %dma_wait3A_400 = tpu.memref_squeeze %dma_wait3A_399 : memref<1x128x128xf32, #tpu.memory_space<vmem>> -> memref<128x128xf32, #tpu.memory_space<vmem>>
    %dma_wait3A_401 = arith.constant 0 : i32
    %dma_wait3A_402 = tpu.memref_slice %arg6[%add3A_304, %dma_wait3A_401] : memref<16384x128xf32, #tpu.memory_space<hbm>> -> memref<128x128xf32, #tpu.memory_space<hbm>>
    %dma_wait3A_403 = arith.constant 0 : i32
    %dma_wait3A_404 = tpu.memref_slice %arg6[%add3A_304, %dma_wait3A_403] : memref<16384x128xf32, #tpu.memory_space<hbm>> -> memref<128x128xf32, #tpu.memory_space<hbm>>
    %dma_wait3A_405 = arith.constant 0 : i32
    %dma_wait3A_406 = arith.constant 0 : i32
    %dma_wait3A_407 = tpu.memref_slice %arg9[%dma_wait3A_396, %dma_wait3A_405, %dma_wait3A_406] : memref<3x128x128xf32, #tpu.memory_space<vmem>> -> memref<1x128x128xf32, #tpu.memory_space<vmem>>
    %dma_wait3A_408 = tpu.memref_squeeze %dma_wait3A_407 : memref<1x128x128xf32, #tpu.memory_space<vmem>> -> memref<128x128xf32, #tpu.memory_space<vmem>>
    tpu.wait_dma2 semaphore(%arg19 : memref<!tpu.dma_semaphore, #tpu.memory_space<semaphore_mem>>) src(%dma_wait3A_408 : memref<128x128xf32, #tpu.memory_space<vmem>>) dst(%dma_wait3A_404 : memref<128x128xf32, #tpu.memory_space<hbm>>)
    return
  }
}

module attributes {stable_mosaic.version = 14 : i64} {
  func.func @_mlp_body(%arg0: i32, %arg1: memref<8192x128xf32, #tpu.memory_space<vmem>>, %arg2: memref<8192x128xf32, #tpu.memory_space<vmem>>, %arg3: memref<256x128xf32, #tpu.memory_space<vmem>>, %arg4: memref<256x128xf32, #tpu.memory_space<vmem>>, %arg5: memref<256x128xbf16, #tpu.memory_space<vmem>>, %arg6: memref<1x128xf32, #tpu.memory_space<vmem>>, %arg7: memref<128x128xbf16, #tpu.memory_space<vmem>>, %arg8: memref<128x128xbf16, #tpu.memory_space<vmem>>, %arg9: memref<1x128xf32, #tpu.memory_space<vmem>>, %arg10: memref<128x128xbf16, #tpu.memory_space<vmem>>, %arg11: memref<1x128xf32, #tpu.memory_space<vmem>>, %arg12: memref<128x128xbf16, #tpu.memory_space<vmem>>, %arg13: memref<256x128xf32, #tpu.memory_space<vmem>>, %arg14: memref<256x32xf32, #tpu.memory_space<vmem>>) attributes {dimension_semantics = [#tpu.dimension_semantics<arbitrary>], iteration_bounds = array<i64: 2>, scalar_prefetch = 0 : i64, scratch_operands = 0 : i64, tpu.core_type = #tpu.core_type<tc>, window_params = [{transform_indices = @transform_0, window_bounds = array<i64: 8192, 128>}, {transform_indices = @transform_1, window_bounds = array<i64: 8192, 128>}, {transform_indices = @transform_2, window_bounds = array<i64: 256, 128>}, {transform_indices = @transform_3, window_bounds = array<i64: 256, 128>}, {pipeline_mode = #tpu.pipeline_mode<synchronous>, transform_indices = @transform_4, window_bounds = array<i64: 256, 128>}, {pipeline_mode = #tpu.pipeline_mode<synchronous>, transform_indices = @transform_5, window_bounds = array<i64: 1, 128>}, {pipeline_mode = #tpu.pipeline_mode<synchronous>, transform_indices = @transform_6, window_bounds = array<i64: 128, 128>}, {pipeline_mode = #tpu.pipeline_mode<synchronous>, transform_indices = @transform_7, window_bounds = array<i64: 128, 128>}, {pipeline_mode = #tpu.pipeline_mode<synchronous>, transform_indices = @transform_8, window_bounds = array<i64: 1, 128>}, {pipeline_mode = #tpu.pipeline_mode<synchronous>, transform_indices = @transform_9, window_bounds = array<i64: 128, 128>}, {pipeline_mode = #tpu.pipeline_mode<synchronous>, transform_indices = @transform_10, window_bounds = array<i64: 1, 128>}, {pipeline_mode = #tpu.pipeline_mode<synchronous>, transform_indices = @transform_11, window_bounds = array<i64: 128, 128>}, {transform_indices = @transform_12, window_bounds = array<i64: 256, 128>}, {transform_indices = @transform_13, window_bounds = array<i64: 256, 32>}]} {
    %get3A = arith.constant 0 : index
    %get3A_0 = arith.constant 0 : index
    %get3A_1 = vector.load %arg1[%get3A, %get3A_0] : memref<8192x128xf32, #tpu.memory_space<vmem>>, vector<8192x128xf32>
    %get3A_2 = arith.constant 0 : index
    %get3A_3 = arith.constant 0 : index
    %get3A_4 = vector.load %arg2[%get3A_2, %get3A_3] : memref<8192x128xf32, #tpu.memory_space<vmem>>, vector<8192x128xf32>
    %concatenate3A = tpu.concatenate %get3A_1, %get3A_4 in 1 : vector<8192x128xf32>, vector<8192x128xf32> -> vector<8192x256xf32>
    %convert_element_type3A = arith.truncf %concatenate3A : vector<8192x256xf32> to vector<8192x256xbf16>
    %get3A_5 = arith.constant 0 : index
    %get3A_6 = arith.constant 0 : index
    %get3A_7 = vector.load %arg5[%get3A_5, %get3A_6] : memref<256x128xbf16, #tpu.memory_space<vmem>>, vector<256x128xbf16>
    %dot_general3A = arith.constant dense<0.000000e+00> : vector<8192x128xf32>
    %dot_general3A_8 = tpu.matmul %convert_element_type3A, %get3A_7, %dot_general3A {dimension_numbers = #tpu.dot_dimension_numbers<[1], [0], [0], [1], [0, 0, 1, 1], [], []>, transpose_lhs_hint = false} : vector<8192x256xbf16>, vector<256x128xbf16>, vector<8192x128xf32> -> vector<8192x128xf32>
    %get3A_9 = arith.constant 0 : index
    %get3A_10 = arith.constant 0 : index
    %get3A_11 = vector.load %arg6[%get3A_9, %get3A_10] : memref<1x128xf32, #tpu.memory_space<vmem>>, vector<1x128xf32>
    %add3A = vector.broadcast %get3A_11 : vector<1x128xf32> to vector<8192x128xf32>
    %add3A_12 = arith.addf %dot_general3A_8, %add3A : vector<8192x128xf32>
    %max3A = arith.constant 0.000000e+00 : f32
    %max3A_13 = vector.broadcast %max3A : f32 to vector<8192x128xf32>
    %max3A_14 = arith.maximumf %add3A_12, %max3A_13 : vector<8192x128xf32>
    %get3A_15 = arith.constant 0 : index
    %get3A_16 = arith.constant 0 : index
    %get3A_17 = vector.load %arg3[%get3A_15, %get3A_16] : memref<256x128xf32, #tpu.memory_space<vmem>>, vector<256x128xf32>
    %convert_element_type3A_18 = arith.truncf %get3A_17 : vector<256x128xf32> to vector<256x128xbf16>
    %get3A_19 = arith.constant 0 : index
    %get3A_20 = arith.constant 0 : index
    %get3A_21 = vector.load %arg8[%get3A_19, %get3A_20] : memref<128x128xbf16, #tpu.memory_space<vmem>>, vector<128x128xbf16>
    %dot_general3A_22 = arith.constant dense<0.000000e+00> : vector<256x128xf32>
    %dot_general3A_23 = tpu.matmul %convert_element_type3A_18, %get3A_21, %dot_general3A_22 {dimension_numbers = #tpu.dot_dimension_numbers<[1], [0], [0], [1], [0, 0, 1, 1], [], []>, transpose_lhs_hint = false} : vector<256x128xbf16>, vector<128x128xbf16>, vector<256x128xf32> -> vector<256x128xf32>
    %get3A_24 = arith.constant 0 : index
    %get3A_25 = arith.constant 0 : index
    %get3A_26 = vector.load %arg9[%get3A_24, %get3A_25] : memref<1x128xf32, #tpu.memory_space<vmem>>, vector<1x128xf32>
    %add3A_27 = vector.broadcast %get3A_26 : vector<1x128xf32> to vector<256x128xf32>
    %add3A_28 = arith.addf %dot_general3A_23, %add3A_27 : vector<256x128xf32>
    %broadcast_in_dim3A = vector.shape_cast %add3A_28 : vector<256x128xf32> to vector<256x1x128xf32>
    %broadcast_in_dim3A_29 = vector.shape_cast %broadcast_in_dim3A : vector<256x1x128xf32> to vector<256x1x128xf32>
    %broadcast_in_dim3A_30 = vector.broadcast %broadcast_in_dim3A_29 : vector<256x1x128xf32> to vector<256x32x128xf32>
    %convert_element_type3A_31 = arith.truncf %max3A_14 : vector<8192x128xf32> to vector<8192x128xbf16>
    %get3A_32 = arith.constant 0 : index
    %get3A_33 = arith.constant 0 : index
    %get3A_34 = vector.load %arg7[%get3A_32, %get3A_33] : memref<128x128xbf16, #tpu.memory_space<vmem>>, vector<128x128xbf16>
    %dot_general3A_35 = arith.constant dense<0.000000e+00> : vector<8192x128xf32>
    %dot_general3A_36 = tpu.matmul %convert_element_type3A_31, %get3A_34, %dot_general3A_35 {dimension_numbers = #tpu.dot_dimension_numbers<[1], [0], [0], [1], [0, 0, 1, 1], [], []>, transpose_lhs_hint = false} : vector<8192x128xbf16>, vector<128x128xbf16>, vector<8192x128xf32> -> vector<8192x128xf32>
    %reshape3A = vector.shape_cast %broadcast_in_dim3A_30 : vector<256x32x128xf32> to vector<8192x128xf32>
    %add3A_37 = arith.addf %dot_general3A_36, %reshape3A : vector<8192x128xf32>
    %max3A_38 = arith.constant 0.000000e+00 : f32
    %max3A_39 = vector.broadcast %max3A_38 : f32 to vector<8192x128xf32>
    %max3A_40 = arith.maximumf %add3A_37, %max3A_39 : vector<8192x128xf32>
    %convert_element_type3A_41 = arith.truncf %max3A_40 : vector<8192x128xf32> to vector<8192x128xbf16>
    %get3A_42 = arith.constant 0 : index
    %get3A_43 = arith.constant 0 : index
    %get3A_44 = vector.load %arg10[%get3A_42, %get3A_43] : memref<128x128xbf16, #tpu.memory_space<vmem>>, vector<128x128xbf16>
    %dot_general3A_45 = arith.constant dense<0.000000e+00> : vector<8192x128xf32>
    %dot_general3A_46 = tpu.matmul %convert_element_type3A_41, %get3A_44, %dot_general3A_45 {dimension_numbers = #tpu.dot_dimension_numbers<[1], [0], [0], [1], [0, 0, 1, 1], [], []>, transpose_lhs_hint = false} : vector<8192x128xbf16>, vector<128x128xbf16>, vector<8192x128xf32> -> vector<8192x128xf32>
    %get3A_47 = arith.constant 0 : index
    %get3A_48 = arith.constant 0 : index
    %get3A_49 = vector.load %arg11[%get3A_47, %get3A_48] : memref<1x128xf32, #tpu.memory_space<vmem>>, vector<1x128xf32>
    %add3A_50 = vector.broadcast %get3A_49 : vector<1x128xf32> to vector<8192x128xf32>
    %add3A_51 = arith.addf %dot_general3A_46, %add3A_50 : vector<8192x128xf32>
    %max3A_52 = arith.constant 0.000000e+00 : f32
    %max3A_53 = vector.broadcast %max3A_52 : f32 to vector<8192x128xf32>
    %max3A_54 = arith.maximumf %add3A_51, %max3A_53 : vector<8192x128xf32>
    %get3A_55 = arith.constant 0 : index
    %get3A_56 = arith.constant 0 : index
    %get3A_57 = vector.load %arg4[%get3A_55, %get3A_56] : memref<256x128xf32, #tpu.memory_space<vmem>>, vector<256x128xf32>
    %mul3A = arith.constant 0.0883883461 : f32
    %mul3A_58 = vector.broadcast %mul3A : f32 to vector<256x128xf32>
    %mul3A_59 = arith.mulf %get3A_57, %mul3A_58 : vector<256x128xf32>
    %broadcast_in_dim3A_60 = vector.shape_cast %mul3A_59 : vector<256x128xf32> to vector<256x1x128xf32>
    %broadcast_in_dim3A_61 = vector.shape_cast %broadcast_in_dim3A_60 : vector<256x1x128xf32> to vector<256x1x128xf32>
    %broadcast_in_dim3A_62 = vector.broadcast %broadcast_in_dim3A_61 : vector<256x1x128xf32> to vector<256x32x128xf32>
    %reshape3A_63 = vector.shape_cast %broadcast_in_dim3A_62 : vector<256x32x128xf32> to vector<8192x128xf32>
    %mul3A_64 = arith.mulf %max3A_54, %reshape3A_63 : vector<8192x128xf32>
    %convert_element_type3A_65 = arith.truncf %mul3A_64 : vector<8192x128xf32> to vector<8192x128xbf16>
    %get3A_66 = arith.constant 0 : index
    %get3A_67 = arith.constant 0 : index
    %get3A_68 = vector.load %arg12[%get3A_66, %get3A_67] : memref<128x128xbf16, #tpu.memory_space<vmem>>, vector<128x128xbf16>
    %dot_general3A_69 = arith.constant dense<0.000000e+00> : vector<8192x128xf32>
    %dot_general3A_70 = tpu.matmul %convert_element_type3A_65, %get3A_68, %dot_general3A_69 {dimension_numbers = #tpu.dot_dimension_numbers<[1], [0], [0], [1], [0, 0, 1, 1], [], []>, transpose_lhs_hint = false} : vector<8192x128xbf16>, vector<128x128xbf16>, vector<8192x128xf32> -> vector<8192x128xf32>
    %reshape3A_71 = vector.shape_cast %dot_general3A_70 : vector<8192x128xf32> to vector<256x32x128xf32>
    %reduce_max3A = arith.constant dense<0xFF800000> : vector<256x128xf32>
    %reduce_max3A_72 = vector.multi_reduction <maximumf>, %reshape3A_71, %reduce_max3A [1] : vector<256x32x128xf32> to vector<256x128xf32>
    %broadcast_in_dim3A_73 = vector.shape_cast %reduce_max3A_72 : vector<256x128xf32> to vector<256x1x128xf32>
    %sub3A = vector.broadcast %broadcast_in_dim3A_73 : vector<256x1x128xf32> to vector<256x32x128xf32>
    %sub3A_74 = arith.subf %reshape3A_71, %sub3A : vector<256x32x128xf32>
    %exp3A = math.exp %sub3A_74 : vector<256x32x128xf32>
    %reduce_sum3A = arith.constant dense<0.000000e+00> : vector<256x128xf32>
    %reduce_sum3A_75 = vector.multi_reduction <add>, %exp3A, %reduce_sum3A [1] : vector<256x32x128xf32> to vector<256x128xf32>
    %broadcast_in_dim3A_76 = vector.shape_cast %reduce_sum3A_75 : vector<256x128xf32> to vector<256x1x128xf32>
    %div3A = vector.broadcast %broadcast_in_dim3A_76 : vector<256x1x128xf32> to vector<256x32x128xf32>
    %div3A_77 = arith.divf %exp3A, %div3A : vector<256x32x128xf32>
    %reshape3A_78 = vector.shape_cast %max3A_54 : vector<8192x128xf32> to vector<256x32x128xf32>
    %mul3A_79 = arith.mulf %reshape3A_78, %div3A_77 : vector<256x32x128xf32>
    %reduce_sum3A_80 = arith.constant dense<0.000000e+00> : vector<256x128xf32>
    %reduce_sum3A_81 = vector.multi_reduction <add>, %mul3A_79, %reduce_sum3A_80 [1] : vector<256x32x128xf32> to vector<256x128xf32>
    %swap3A = arith.constant 0 : index
    %swap3A_82 = arith.constant 0 : index
    %swap3A_83 = vector.load %arg13[%swap3A, %swap3A_82] : memref<256x128xf32, #tpu.memory_space<vmem>>, vector<256x128xf32>
    tpu.vector_store %arg13[%swap3A, %swap3A_82], %reduce_sum3A_81 {strides = array<i32>} : memref<256x128xf32, #tpu.memory_space<vmem>>, vector<256x128xf32>,
    %slice3A = vector.extract_strided_slice %div3A_77 {offsets = [0, 0, 0], sizes = [256, 32, 1], strides = [1, 1, 1]} : vector<256x32x128xf32> to vector<256x32x1xf32>
    %squeeze3A = vector.shape_cast %slice3A : vector<256x32x1xf32> to vector<256x32xf32>
    %swap3A_84 = arith.constant 0 : index
    %swap3A_85 = arith.constant 0 : index
    %swap3A_86 = vector.load %arg14[%swap3A_84, %swap3A_85] : memref<256x32xf32, #tpu.memory_space<vmem>>, vector<256x32xf32>
    tpu.vector_store %arg14[%swap3A_84, %swap3A_85], %squeeze3A {strides = array<i32>} : memref<256x32xf32, #tpu.memory_space<vmem>>, vector<256x32xf32>,
    return
  }
  func.func @transform_0(%arg0: i32) -> (i32, i32) {
    %c0_i32 = arith.constant 0 : i32
    %c0_i32_0 = arith.constant 0 : i32
    return %arg0, %c0_i32 : i32, i32
  }
  func.func @transform_1(%arg0: i32) -> (i32, i32) {
    %c0_i32 = arith.constant 0 : i32
    %c0_i32_0 = arith.constant 0 : i32
    return %arg0, %c0_i32 : i32, i32
  }
  func.func @transform_2(%arg0: i32) -> (i32, i32) {
    %c0_i32 = arith.constant 0 : i32
    %c0_i32_0 = arith.constant 0 : i32
    return %arg0, %c0_i32 : i32, i32
  }
  func.func @transform_3(%arg0: i32) -> (i32, i32) {
    %c0_i32 = arith.constant 0 : i32
    %c0_i32_0 = arith.constant 0 : i32
    return %arg0, %c0_i32 : i32, i32
  }
  func.func @transform_4(%arg0: i32) -> (i32, i32) {
    %c0_i32 = arith.constant 0 : i32
    %c0_i32_0 = arith.constant 0 : i32
    %c0_i32_1 = arith.constant 0 : i32
    return %c0_i32, %c0_i32_0 : i32, i32
  }
  func.func @transform_5(%arg0: i32) -> (i32, i32) {
    %c0_i32 = arith.constant 0 : i32
    %c0_i32_0 = arith.constant 0 : i32
    %c0_i32_1 = arith.constant 0 : i32
    return %c0_i32, %c0_i32_0 : i32, i32
  }
  func.func @transform_6(%arg0: i32) -> (i32, i32) {
    %c0_i32 = arith.constant 0 : i32
    %c0_i32_0 = arith.constant 0 : i32
    %c0_i32_1 = arith.constant 0 : i32
    return %c0_i32, %c0_i32_0 : i32, i32
  }
  func.func @transform_7(%arg0: i32) -> (i32, i32) {
    %c0_i32 = arith.constant 0 : i32
    %c0_i32_0 = arith.constant 0 : i32
    %c0_i32_1 = arith.constant 0 : i32
    return %c0_i32, %c0_i32_0 : i32, i32
  }
  func.func @transform_8(%arg0: i32) -> (i32, i32) {
    %c0_i32 = arith.constant 0 : i32
    %c0_i32_0 = arith.constant 0 : i32
    %c0_i32_1 = arith.constant 0 : i32
    return %c0_i32, %c0_i32_0 : i32, i32
  }
  func.func @transform_9(%arg0: i32) -> (i32, i32) {
    %c0_i32 = arith.constant 0 : i32
    %c0_i32_0 = arith.constant 0 : i32
    %c0_i32_1 = arith.constant 0 : i32
    return %c0_i32, %c0_i32_0 : i32, i32
  }
  func.func @transform_10(%arg0: i32) -> (i32, i32) {
    %c0_i32 = arith.constant 0 : i32
    %c0_i32_0 = arith.constant 0 : i32
    %c0_i32_1 = arith.constant 0 : i32
    return %c0_i32, %c0_i32_0 : i32, i32
  }
  func.func @transform_11(%arg0: i32) -> (i32, i32) {
    %c0_i32 = arith.constant 0 : i32
    %c0_i32_0 = arith.constant 0 : i32
    %c0_i32_1 = arith.constant 0 : i32
    return %c0_i32, %c0_i32_0 : i32, i32
  }
  func.func @transform_12(%arg0: i32) -> (i32, i32) {
    %c0_i32 = arith.constant 0 : i32
    %c0_i32_0 = arith.constant 0 : i32
    return %arg0, %c0_i32 : i32, i32
  }
  func.func @transform_13(%arg0: i32) -> (i32, i32) {
    %c0_i32 = arith.constant 0 : i32
    %c0_i32_0 = arith.constant 0 : i32
    return %arg0, %c0_i32 : i32, i32
  }
}

</mosaic_0001>

<sc_bundles>
// kernel: kernel.6.cloned.1.call-start
scs
__scs_entry_jumppad:
0x0: {  	(pc) =	sbr.rel $0x88, $3  }
0x1: {  	(tag) =	ssettag $0x0;
	lr =	simm.s32 $0x1  }
0x2: {  	[smem:$0x3F96] =	sst lr;
	_ =	strace $0xD0000000  }
0x3: {  	_ = 	snop  }
0x4: {  	_ = 	snop  }
0x5: {  	_ = 	snop  }
0x6: {  	_ = 	snop  }
0x7: {  	_ = 	snop  }
__scs_overlays_trampoline_lowered:
0x8: {  	[smem:$0x3FA5] =	sst s0  }
0x9: {  	[smem:$0x3FA6] =	sst s1  }
0xa: {  	[smem:$0x3FA7] =	sst s2  }
0xb: {  	[smem:$0x3FA8] =	sst s3  }
0xc: {  	[smem:$0x3FA9] =	sst s4  }
0xd: {  	[smem:$0x3FAA] =	sst s5  }
0xe: {  	[smem:$0x3FAB] =	sst s6  }
0xf: {  	[smem:$0x3FAC] =	sst s7  }
0x10: {  	[smem:$0x3FAD] =	sst s8  }
0x11: {  	[smem:$0x3FAE] =	sst s9;
	s0 =	simm.s32 @!p0 $0x0  }
0x12: {  	s1 =	sld [smem:$0x3F94];
	s0 =	simm.s32 @p0 $0x1  }
0x13: {  	[smem:$0x3FAF] =	sst s0;
	s0 =	simm.s32 @!p1 $0x0  }
0x14: {  	s2 =	sld [smem:$0x3F93];
	s0 =	simm.s32 @p1 $0x1  }
0x15: {  	[smem:$0x3FB0] =	sst s0;
	s0 =	simm.s32 @!p2 $0x0  }
0x16: {  	s3 =	sld [smem:$0x3FDB];
	s0 =	simm.s32 @p2 $0x1  }
0x17: {  	s4 =	simm.s32 $0x1BF5;
	[smem:$0x3FB2] =	sst s0  }
0x18: {  	s0 =	sld [smem:$0x3F95];
	_ =	swait.ge [sflag:s4], $0x0  }
0x19: {  	s7 =	sld [smem:$0x3F96]  }
0x1a: {  	s8 =	sadd.s32 $0xFFFFE003, lr  }
0x1b: {  	s9 =	sadd.s32 $0xFFFFFEF7, lr;
	s5 =	simm.s32 $0xFFFFFFFF;
	p2 =	slt.u32 s8, $0xFFFFF086  }
0x1c: {  	p1 =	slt.u32 s9, $0xF7A;
	s5 =	simm.s32 @!p2 $0x0  }
0x1d: {  	s5 =	simm.s32 @p1 $0x1;
	p0 =	seq.s32 s7, s2  }
0x1e: {  	s7 =	smul.u32 @!p0 $0xF7A, s2;
	p2 =	seq.s32 @!p0 s5, $0x0  }
0x1f: {  	s9 =	smul.u32 $0xF7A, s1;
	s8 =	simm.s32 @!p0 $0x1BF5;
	p2 =	por !p2, p0  }
0x20: {  	[sflag:s8] =	ssyncset.s32 @!p0 $0xFFFFF086;
	s6 =	sadd.s32 @!p0 s3, s7;
	s7 =	simm.s32 @!p0 $0x108  }
0x21: {  	s3 =	sadd.s32 s3, s9;
	s6 =	sadd.s32 @!p0 $0x88, s6;
	s7 =	simm.s32 @p2 $0x1082  }
0x22: {  	[simem:s7], [sflag:s8] =	dma.local @!p0 [hbm:s6], $0xF7A  }
0x23: {  	s9 =	sor.u32 $0xD0000000, s2;
	s6 =	simm.s32 $0x108;
	_ =	swait.ge @!p0 [sflag:s8], $0x0  }
0x24: {  	s3 =	sadd.s32 $0x88, s3;
	s6 =	simm.s32 @!p1 $0x1082;
	[sflag:s4] =	ssyncset.s32 $0xFFFFF086  }
0x25: {  	[simem:s6], [sflag:s4] =	dma.local [hbm:s3], $0xF7A  }
0x26: {  	[smem:$0x3F96] =	sst s1;
	(tag) =	ssettag s2;
	_ =	strace s9  }
0x27: {  	s1 =	sld [smem:$0x3FA6]  }
0x28: {  	s2 =	sld [smem:$0x3FA7]  }
0x29: {  	s4 =	sld [smem:$0x3FA9]  }
0x2a: {  	p0 =	seq.s32 s5, $0x0;
	s5 =	sld [smem:$0x3FAA]  }
0x2b: {  	s6 =	sld [smem:$0x3FAB]  }
0x2c: {  	s7 =	sld [smem:$0x3FAC]  }
0x2d: {  	s3 =	simm.s32 $0x108;
	s8 =	sld [smem:$0x3FAD]  }
0x2e: {  	s3 =	simm.s32 @!p0 $0x1082;
	s9 =	sld [smem:$0x3FAE]  }
0x2f: {  	lr =	sadd.s32 s0, s3;
	s0 =	sld [smem:$0x3FA5]  }
0x30: {  	s3 =	sld [smem:$0x3FA8]  }
0x31: {  	[smem:$0x3FB1] =	sst s10  }
0x32: {  	s10 =	sld [smem:$0x3FAF];
	_ =	sdelay $0x3  }
0x33: {  	p0 =	seq.s32 s10, $0x1;
	s10 =	sld [smem:$0x3FB1];
	_ =	sdelay $0x3  }
0x34: {  	[smem:$0x3FB1] =	sst s10  }
0x35: {  	s10 =	sld [smem:$0x3FB0];
	_ =	sdelay $0x3  }
0x36: {  	p1 =	seq.s32 s10, $0x1;
	s10 =	sld [smem:$0x3FB1];
	_ =	sdelay $0x3  }
0x37: {  	[smem:$0x3FB1] =	sst s10  }
0x38: {  	s10 =	sld [smem:$0x3FB2]  }
0x39: {  	_ = 	snop;
	(pc) =	sbr.ind lr, $3  }
0x3a: {  	_ = 	snop  }
0x3b: {  	_ = 	snop  }
0x3c: {  	p2 =	seq.s32 s10, $0x1;
	s10 =	sld [smem:$0x3FB1]  }
0x3d: {  	_ =	shalt  }
0x3e: {  	_ =	shalt  }
0x3f: {  	_ =	shalt  }
0x40: {  	_ =	shalt  }
0x41: {  	_ =	shalt  }
0x42: {  	_ =	shalt  }
0x43: {  	_ =	shalt  }
0x44: {  	_ =	shalt  }
0x45: {  	_ =	shalt  }
0x46: {  	_ =	shalt  }
0x47: {  	_ =	shalt  }
0x48: {  	_ =	shalt  }
0x49: {  	_ =	shalt  }
0x4a: {  	_ =	shalt  }
0x4b: {  	_ =	shalt  }
0x4c: {  	_ =	shalt  }
0x4d: {  	_ =	shalt  }
0x4e: {  	_ =	shalt  }
0x4f: {  	_ =	shalt  }
0x50: {  	_ =	shalt  }
0x51: {  	_ =	shalt  }
0x52: {  	_ =	shalt  }
0x53: {  	_ =	shalt  }
0x54: {  	_ =	shalt  }
0x55: {  	_ =	shalt  }
0x56: {  	_ =	shalt  }
0x57: {  	_ =	shalt  }
0x58: {  	_ =	shalt  }
0x59: {  	_ =	shalt  }
0x5a: {  	_ =	shalt  }
0x5b: {  	_ =	shalt  }
0x5c: {  	_ =	shalt  }
0x5d: {  	_ =	shalt  }
0x5e: {  	_ =	shalt  }
0x5f: {  	_ =	shalt  }
0x60: {  	_ =	shalt  }
0x61: {  	_ =	shalt  }
0x62: {  	_ =	shalt  }
0x63: {  	_ =	shalt  }
0x64: {  	_ =	shalt  }
0x65: {  	_ =	shalt  }
0x66: {  	_ =	shalt  }
0x67: {  	_ =	shalt  }
0x68: {  	_ =	shalt  }
0x69: {  	_ =	shalt  }
0x6a: {  	_ =	shalt  }
0x6b: {  	_ =	shalt  }
0x6c: {  	_ =	shalt  }
0x6d: {  	_ =	shalt  }
0x6e: {  	_ =	shalt  }
0x6f: {  	_ =	shalt  }
0x70: {  	_ =	shalt  }
0x71: {  	_ =	shalt  }
0x72: {  	_ =	shalt  }
0x73: {  	_ =	shalt  }
0x74: {  	_ =	shalt  }
0x75: {  	_ =	shalt  }
0x76: {  	_ =	shalt  }
0x77: {  	_ =	shalt  }
0x78: {  	_ =	shalt  }
0x79: {  	_ =	shalt  }
0x7a: {  	_ =	shalt  }
0x7b: {  	_ =	shalt  }
0x7c: {  	_ =	shalt  }
0x7d: {  	_ =	shalt  }
0x7e: {  	_ =	shalt  }
0x7f: {  	_ =	shalt  }
0x80: {  	_ =	shalt  }
0x81: {  	_ =	shalt  }
0x82: {  	_ =	shalt  }
0x83: {  	_ =	shalt  }
0x84: {  	_ =	shalt  }
0x85: {  	_ =	shalt  }
0x86: {  	_ =	shalt  }
0x87: {  	_ =	shalt  }
.Lfunc_end0:
.L_simem_size_0:
called_computation_lowered:
.L_overlay_start_0:
0x88: {  	s2 =	sld [smem:$0x3FD9]  }
0x89: {  	s3 =	sld [smem:$0x3FFE];
	_ =	sdelay $0x1  }
0x8a: {  	s1 =	srdreg.scid  }
0x8b: {  	s0 =	sand.u32 $0x1, s1  }
0x8c: {  	s14 =	sshll.u32 s0, $0xA;
	s2 =	sadd.s32 s3, s2  }
0x8d: {  	s2 =	sadd.s32 s2, s14  }
0x8e: {  	[smem:$0x3FBD] =	sst s2  }
0x8f: {  	_ = 	snop  }
0x90: {  	s2 =	sld [smem:$0x3FD0];
	_ =	sdelay $0x1  }
0x91: {  	s15 =	sld [smem:$0x3FC6]  }
0x92: {  	s5 =	simm.s32 $0xB;
	s6 =	simm.s32 $0x10;
	s4 =	sld [smem:$0x3FC5]  }
0x93: {  	[smem:s6], [sflag:s5] =	dma.local [hbm:s2], $0x1  }
0x94: {  	_ =	swait.eq [sflag:s5], $0x1  }
0x95: {  	[sflag:s5] =	ssyncset.done $0x0  }
0x96: {  	[sflag:s5] =	ssyncadd.s32 $0xFFFFFFFF  }
0x97: {  	s16 =	sld [smem:$0x10];
	(tm) =	ssettm $0x1  }
0x98: {  	s17 =	sld [smem:$0x3FFB];
	_ =	sdelay $0x3  }
0x99: {  	_ =	strace s17  }
0x9a: {  	s5 =	sld [smem:$0x3FFC];
	_ =	sdelay $0x3  }
0x9b: {  	_ =	strace s5  }
0x9c: {  	s5 =	sld [smem:$0x3FFD];
	_ =	sdelay $0x3  }
0x9d: {  	_ =	strace s5  }
0x9e: {  	_ =	strace $0x8FFFFFFF  }
0x9f: {  	s18 =	sld [smem:$0x3FDB];
	_ =	sdelay $0x1  }
0xa0: {  	s19 =	simm.s32 $_scs_section_size  }
0xa1: {  	s7 =	simm.s32 $_size__tile_overlayer_lowered;
	s8 =	simm.s32 $_tile_overlayer_lowered  }
0xa2: {  	s22 =	simm.s32 $0x1BFF;
	s21 =	sshll.u32 s8, $0x1;
	s5 =	sadd.s32 s19, s18  }
0xa3: {  	s9 =	simm.s32 $0x0;
	s20 =	sshll.u32 s7, $0x1;
	s7 =	sadd.s32 s21, s5  }
0xa4: {  	[timem:s9], [sflag:s22] =	dma.local [hbm:s7], s20  }
0xa5: {  	_ =	swait.ge [sflag:s22], s20  }
0xa6: {  	s6 =	ssub.s32 $0x0, s20;
	[sflag:s22] =	ssyncset.done $0x0  }
0xa7: {  	[sflag:s22] =	ssyncadd.s32 s6;
	_ =	sdelay $0x1  }
0xa8: {  	s23 =	simm.s32 $0x1B8B  }
0xa9: {  	_ =	swait.ge [sflag:s23], $0x1  }
0xaa: {  	[sflag:s23] =	ssyncset.done $0x0  }
0xab: {  	s25 =	simm.s32 $0x1B8E;
	s24 =	sld [smem:$0x3FFE];
	[sflag:s23] =	ssyncadd.s32 $0xFFFFFFFF  }
0xac: {  	s26 =	simm.s32 $execute0_lowered;
	[smem:$0x3FD2] =	sst s25  }
0xad: {  	s7 =	sshll.u32 s26, $0x1;
	_ =	strace $0x80000046;
	[dreg:$0x1] =	wrdreg $0xFFFFFFFF  }
0xae: {  	s28 =	simm.s32 $_size_execute0_lowered;
	s5 =	sadd.s32 s5, s7;
	[dreg:$0x0] =	wrdreg $0x0  }
0xaf: {  	s7 =	sshll.u32 s28, $0x1;
	[dreg:$0x2] =	wrdreg s5  }
0xb0: {  	[dreg:$0x3] =	wrdreg s7  }
0xb1: {  	[dreg:$0x4] =	wrdreg $0xC0  }
0xb2: {  	_ =	task [dreg:s9], $0x5FFFF  }
0xb3: {  	[dreg:$0x1] =	wrdreg $0xFFFFFFFF  }
0xb4: {  	[dreg:$0x0] =	wrdreg $0x60  }
0xb5: {  	[dreg:$0x2] =	wrdreg s15  }
0xb6: {  	[dreg:$0x3] =	wrdreg s4  }
0xb7: {  	[dreg:$0x4] =	wrdreg s16  }
0xb8: {  	[dreg:$0x5] =	wrdreg s24  }
0xb9: {  	[dreg:$0x6] =	wrdreg $0x9  }
0xba: {  	_ =	task.clear_ibuf [dreg:s9], $0x7FFFF;
	_ =	strace $0x90000046  }
0xbb: {  	s29 =	simm.s32 $0x9;
	_ =	strace $0x80000048  }
0xbc: {  	_ =	swait.ge [sflag:s29], $0x1  }
0xbd: {  	[sflag:s29] =	ssyncadd.s32 $0xFFFFFFFF  }
0xbe: {  	_ =	strace $0x90000048  }
0xbf: {  	_ =	sfence  }
0xc0: {  	s30 =	sld [smem:$0x0];
	_ =	sdelay $0x2  }
0xc1: {  	s31 =	sshll.u32 s1, $0xD;
	s1 =	sshrl.u32 s1, $0x2  }
0xc2: {  	s3 =	sand.u32 $0x4000, s31;
	s1 =	sadd.s32 s1, s30  }
0xc3: {  	s0 =	sor.u32 s3, s0;
	s1 =	sshll.u32 s1, $0x11  }
0xc4: {  	s0 =	sor.u32 s1, s0  }
0xc5: {  	s0 =	sadd.s32 $0x8F2B, s0  }
0xc6: {  	[sflag:s0] =	ssyncadd.remote.s32 $0x1  }
0xc7: {  	_ =	sfence.sel $0xFFFF  }
0xc8: {  	[dreg:$0x0] =	wrdreg $0xFFFFFFFF;
	(pc) =	sbr.abs _section_cstart, $3  }
0xc9: {  	[dreg:$0x1] =	wrdreg $0xFFFFFFFF  }
0xca: {  	_ =	task.clear_ibuf [dreg:s9], $0x2FFFF;
	_ =	strace $0x9FFFFFFF  }
0xcb: {  	(tm) =	ssettm $0x7FFFFFFF  }
tec
execute0_lowered:
.L_overlay_start_1:
0x0: {  	(tag) =	ssettag $0x1  }
0x1: {  	s3 =	rddreg [dreg:$0x0]  }
0x2: {  	s4 =	rddreg [dreg:$0x1]  }
0x3: {  	s0 =	rddreg [dreg:$0x2]  }
0x4: {  	s1 =	rddreg [dreg:$0x3];
	s5 =	srdreg.scid  }
0x5: {  	s2 =	simm.s32 $0x0;
	s6 =	stileid.u32;
	s31 =	simm.s32 $0xD  }
0x6: {  	s10 =	simm.s32 $0x200;
	s11 =	simm.s32 $0xC200;
	s14 =	simm.s32 $0x1  }
0x7: {  	s13 =	simm.s32 $0x4;
	s29 =	simm.s32 $0x100;
	s30 =	simm.s32 $0x2  }
0x8: {  	s28 =	simm.s32 $0x5;
	p0 =	por $0x0, $0x0;
	s17 =	simm.s32 $0xB  }
0x9: {  	s16 =	simm.s32 $0x9;
	s15 =	simm.s32 $0xC;
	s5 =	sand.u32 $0x1, s5  }
0xa: {  	[smem:$0x7FF] =	sst s2;
	s6 =	sshll.u32 s6, $0xA;
	s18 =	sadd.s32 $0x3200, s1  }
0xb: {  	s1 =	sadd.s32 $0x43200, s1;
	s7 =	sshll.u32 s5, $0x9;
	s5 =	ssub.s32 $0x2, s5  }
0xc: {  	_ =	strace $0x80000047;
	s6 =	sor.u32 s7, s6;
	s19 =	sshrl.u32 s5, $0x1  }
0xd: {  	s8 =	sshrl.u32 s6, $0x3;
	s6 =	sshll.u32 s6, $0x4;
	s5 =	ssub.s32 s5, s19  }
0xe: {  	s19 =	simm.s32 $0x8200;
	s0 =	sadd.s32 s0, s8;
	s20 =	sadd.s32 s18, s6  }
0xf: {  	s21 =	sadd.s32 s1, s6;
	s9 =	sor.u32 $0x800, s6;
	s24 =	sor.u32 $0x1000, s6  }
0x10: {  	s25 =	sor.u32 $0x1800, s6;
	s26 =	smax.u32 s5, $0x1;
	[dreg:$0x5] =	wrdreg s0  }
0x11: {  	s8 =	simm.s32 $0x7;
	s5 =	simm.s32 $0xA;
	[dreg:$0x6] =	wrdreg s20  }
0x12: {  	[dreg:$0x7] =	wrdreg s21;
	s22 =	sadd.s32 s18, s9;
	s23 =	sadd.s32 s1, s9  }
0x13: {  	s9 =	sadd.s32 s18, s24;
	s12 =	sadd.s32 s1, s24;
	p1 =	sne.s32 s26, $0x1  }
.Ltmp0:
0x14: {  	s6 =	sadd.s32 s18, s25;
	s7 =	sadd.s32 s1, s25;
	(pc) =	sbr.rel @!p1 .LBB2_3-.Ltmp0, $4  }
0x15: {  	s18 =	simm.s32 $0x80;
	s20 =	simm.s32 $0x14200;
	s25 =	simm.s32 $0x180  }
0x16: {  	s0 =	sadd.s32 $0xFFFFFFFF, s26;
	s26 =	simm.s32 $0x3;
	[dreg:$0x8] =	wrdreg s22  }
0x17: {  	s24 =	simm.s32 $0x6;
	s21 =	simm.s32 $0x8;
	[dreg:$0x9] =	wrdreg s23  }
0x18: {  	s22 =	simm.s32 $0x4200;
	s23 =	simm.s32 $0x10200;
	s1 =	rddreg [dreg:$0x5]  }
0x19: {  	[tilespmem:s2], [sflag:$0xD] =	stream.linear.gather [hbm4b:s1+s2], $0x200, $0x38;
	[tilespmem:$0x18200] =	vst v63  }
0x1a: {  	_ =	swait.ge [sflag:s31], $0x200  }
0x1b: {  	[sflag:s31] =	ssyncset.done $0x0  }
0x1c: {  	[sflag:s31] =	ssyncadd.s32 $0xFFFFFE00  }
0x1d: {  	[tilespmem:s10], [sflag:$0x1] =	stream.indirect.gather [hbm4b:s3+s18], $0x80, s2, s18, $0xb8;
	[tilespmem:$0x18200] =	vst v63  }
0x1e: {  	_ = 	snop  }
0x1f: {  	[tilespmem:s11], [sflag:$0x4] =	stream.indirect.gather [hbm4b:s4+s18], $0x80, s2, s18, $0xb8;
	[tilespmem:$0x18200] =	vst v63  }
0x20: {  	_ = 	snop  }
0x21: {  	[tilespmem:s22], [sflag:$0x2] =	stream.indirect.gather [hbm4b:s3+s18], $0x80, s18, s18, $0xb8;
	[tilespmem:$0x18200] =	vst v63  }
0x22: {  	_ = 	snop  }
0x23: {  	[tilespmem:s23], [sflag:$0x5] =	stream.indirect.gather [hbm4b:s4+s18], $0x80, s18, s18, $0xb8;
	[tilespmem:$0x18200] =	vst v63  }
0x24: {  	_ =	swait.ge [sflag:s14], $0x4000  }
0x25: {  	[sflag:s14] =	ssyncset.done $0x0  }
0x26: {  	[sflag:s14] =	ssyncadd.s32 $0xFFFFC000  }
0x27: {  	_ =	swait.ge [sflag:s13], $0x4000  }
0x28: {  	[dreg:$0xa] =	wrdreg s0;
	[sflag:s13] =	ssyncset.done $0x0  }
0x29: {  	s1 =	rddreg [dreg:$0x6];
	[sflag:s13] =	ssyncadd.s32 $0xFFFFC000  }
0x2a: {  	[hbm4b:s1+s2] =	stream.linear.scatter [tilespmem:s10], [sflag:$0x7], $0x4000, $0x38;
	[tilespmem:$0x18200] =	vst v63  }
0x2b: {  	s0 =	rddreg [dreg:$0x7]  }
0x2c: {  	[hbm4b:s0+s2] =	stream.linear.scatter [tilespmem:s11], [sflag:$0xA], $0x4000, $0x38;
	[tilespmem:$0x18200] =	vst v63  }
0x2d: {  	_ = 	snop  }
0x2e: {  	[tilespmem:s19], [sflag:$0x3] =	stream.indirect.gather [hbm4b:s3+s18], $0x80, s29, s18, $0xb8;
	[tilespmem:$0x18200] =	vst v63  }
0x2f: {  	_ = 	snop  }
0x30: {  	[tilespmem:s20], [sflag:$0x6] =	stream.indirect.gather [hbm4b:s4+s18], $0x80, s29, s18, $0xb8;
	[tilespmem:$0x18200] =	vst v63  }
0x31: {  	_ =	swait.ge [sflag:s30], $0x4000  }
0x32: {  	[sflag:s30] =	ssyncset.done $0x0  }
0x33: {  	[sflag:s30] =	ssyncadd.s32 $0xFFFFC000  }
0x34: {  	_ =	swait.ge [sflag:s28], $0x4000  }
0x35: {  	[sflag:s28] =	ssyncset.done $0x0  }
0x36: {  	s0 =	rddreg [dreg:$0x8];
	[sflag:s28] =	ssyncadd.s32 $0xFFFFC000  }
0x37: {  	[hbm4b:s0+s2] =	stream.linear.scatter [tilespmem:s22], [sflag:$0x8], $0x4000, $0x38;
	[tilespmem:$0x18200] =	vst v63  }
0x38: {  	s1 =	rddreg [dreg:$0x9]  }
0x39: {  	[hbm4b:s1+s2] =	stream.linear.scatter [tilespmem:s23], [sflag:$0xB], $0x4000, $0x38;
	[tilespmem:$0x18200] =	vst v63  }
0x3a: {  	_ =	swait.ge [sflag:s8], $0x4000  }
0x3b: {  	[sflag:s8] =	ssyncset.done $0x0  }
0x3c: {  	[sflag:s8] =	ssyncadd.s32 $0xFFFFC000  }
0x3d: {  	_ =	swait.ge [sflag:s5], $0x4000  }
0x3e: {  	[sflag:s5] =	ssyncset.done $0x0  }
0x3f: {  	[sflag:s5] =	ssyncadd.s32 $0xFFFFC000  }
0x40: {  	[tilespmem:s10], [sflag:$0x1] =	stream.indirect.gather [hbm4b:s3+s18], $0x80, s25, s18, $0xb8;
	[tilespmem:$0x18200] =	vst v63  }
0x41: {  	_ = 	snop  }
0x42: {  	[tilespmem:s11], [sflag:$0x4] =	stream.indirect.gather [hbm4b:s4+s18], $0x80, s25, s18, $0xb8;
	[tilespmem:$0x18200] =	vst v63  }
0x43: {  	_ =	swait.ge [sflag:s26], $0x4000  }
0x44: {  	[sflag:s26] =	ssyncset.done $0x0  }
0x45: {  	[sflag:s26] =	ssyncadd.s32 $0xFFFFC000  }
0x46: {  	_ =	swait.ge [sflag:s24], $0x4000  }
0x47: {  	[sflag:s24] =	ssyncset.done $0x0  }
0x48: {  	[sflag:s24] =	ssyncadd.s32 $0xFFFFC000  }
0x49: {  	[hbm4b:s9+s2] =	stream.linear.scatter [tilespmem:s19], [sflag:$0x9], $0x4000, $0x38;
	[tilespmem:$0x18200] =	vst v63  }
0x4a: {  	_ = 	snop  }
0x4b: {  	[hbm4b:s12+s2] =	stream.linear.scatter [tilespmem:s20], [sflag:$0xC], $0x4000, $0x38;
	[tilespmem:$0x18200] =	vst v63  }
0x4c: {  	_ =	swait.ge [sflag:s14], $0x4000  }
0x4d: {  	[sflag:s14] =	ssyncset.done $0x0  }
0x4e: {  	[sflag:s14] =	ssyncadd.s32 $0xFFFFC000  }
0x4f: {  	_ =	swait.ge [sflag:s13], $0x4000  }
0x50: {  	[sflag:s13] =	ssyncset.done $0x0  }
0x51: {  	[sflag:s13] =	ssyncadd.s32 $0xFFFFC000  }
0x52: {  	[hbm4b:s6+s2] =	stream.linear.scatter [tilespmem:s10], [sflag:$0x7], $0x4000, $0x38;
	[tilespmem:$0x18200] =	vst v63  }
0x53: {  	_ = 	snop  }
0x54: {  	[hbm4b:s7+s2] =	stream.linear.scatter [tilespmem:s11], [sflag:$0xA], $0x4000, $0x38;
	[tilespmem:$0x18200] =	vst v63  }
0x55: {  	_ =	swait.ge [sflag:s21], $0x4000  }
0x56: {  	[sflag:s21] =	ssyncset.done $0x0  }
0x57: {  	[sflag:s21] =	ssyncadd.s32 $0xFFFFC000  }
0x58: {  	_ =	swait.ge [sflag:s17], $0x4000  }
0x59: {  	[sflag:s17] =	ssyncset.done $0x0  }
0x5a: {  	[sflag:s17] =	ssyncadd.s32 $0xFFFFC000  }
0x5b: {  	_ =	swait.ge [sflag:s16], $0x4000  }
0x5c: {  	[sflag:s16] =	ssyncset.done $0x0  }
0x5d: {  	[sflag:s16] =	ssyncadd.s32 $0xFFFFC000  }
0x5e: {  	_ =	swait.ge [sflag:s15], $0x4000  }
0x5f: {  	[sflag:s15] =	ssyncset.done $0x0  }
0x60: {  	[sflag:s15] =	ssyncadd.s32 $0xFFFFC000  }
0x61: {  	_ =	swait.ge [sflag:s8], $0x4000  }
0x62: {  	s1 =	rddreg [dreg:$0xa]  }
0x63: {  	p1 =	sne.s32 s1, $0x1  }
.Ltmp1:
0x64: {  	_ = 	snop;
	(pc) =	sbr.rel @!p1 .LBB2_3-.Ltmp1, $4  }
0x65: {  	[sflag:s8] =	ssyncset.done $0x0  }
0x66: {  	[sflag:s8] =	ssyncadd.s32 $0xFFFFC000  }
0x67: {  	p0 =	por $0x1, $0x1;
	_ =	swait.ge [sflag:s5], $0x4000  }
0x68: {  	s0 =	sadd.s32 $0xFFFFFFFF, s1;
	s1 =	rddreg [dreg:$0x5];
	[sflag:s5] =	ssyncset.done $0x0  }
.LBB2_2:
0x69: {  	[sflag:s5] =	ssyncadd.s32 $0xFFFFC000  }
0x6a: {  	[tilespmem:s2], [sflag:$0xD] =	stream.linear.gather [hbm4b:s1+s2], $0x200, $0x38;
	[tilespmem:$0x18200] =	vst v63  }
0x6b: {  	_ =	swait.ge [sflag:s31], $0x200  }
0x6c: {  	[sflag:s31] =	ssyncset.done $0x0  }
0x6d: {  	[sflag:s31] =	ssyncadd.s32 $0xFFFFFE00  }
0x6e: {  	[tilespmem:s10], [sflag:$0x1] =	stream.indirect.gather [hbm4b:s3+s18], $0x80, s2, s18, $0xb8;
	[tilespmem:$0x18200] =	vst v63  }
0x6f: {  	_ = 	snop  }
0x70: {  	[tilespmem:s11], [sflag:$0x4] =	stream.indirect.gather [hbm4b:s4+s18], $0x80, s2, s18, $0xb8;
	[tilespmem:$0x18200] =	vst v63  }
0x71: {  	_ = 	snop  }
0x72: {  	[tilespmem:s22], [sflag:$0x2] =	stream.indirect.gather [hbm4b:s3+s18], $0x80, s18, s18, $0xb8;
	[tilespmem:$0x18200] =	vst v63  }
0x73: {  	_ = 	snop  }
0x74: {  	[tilespmem:s23], [sflag:$0x5] =	stream.indirect.gather [hbm4b:s4+s18], $0x80, s18, s18, $0xb8;
	[tilespmem:$0x18200] =	vst v63  }
0x75: {  	_ =	swait.ge [sflag:s14], $0x4000  }
0x76: {  	[sflag:s14] =	ssyncset.done $0x0  }
0x77: {  	[sflag:s14] =	ssyncadd.s32 $0xFFFFC000  }
0x78: {  	_ =	swait.ge [sflag:s13], $0x4000  }
0x79: {  	s19 =	smov.u32 s12;
	[sflag:s13] =	ssyncset.done $0x0  }
0x7a: {  	s12 =	smov.u32 s9;
	s1 =	rddreg [dreg:$0x6];
	[sflag:s13] =	ssyncadd.s32 $0xFFFFC000  }
0x7b: {  	[hbm4b:s1+s2] =	stream.linear.scatter [tilespmem:s10], [sflag:$0x7], $0x4000, $0x38;
	[tilespmem:$0x18200] =	vst v63  }
0x7c: {  	s9 =	smov.u32 s7;
	s7 =	smov.u32 s6;
	s6 =	rddreg [dreg:$0x7]  }
0x7d: {  	[hbm4b:s6+s2] =	stream.linear.scatter [tilespmem:s11], [sflag:$0xA], $0x4000, $0x38;
	[tilespmem:$0x18200] =	vst v63  }
0x7e: {  	s20 =	simm.s32 $0x8200  }
0x7f: {  	[tilespmem:s20], [sflag:$0x3] =	stream.indirect.gather [hbm4b:s3+s18], $0x80, s29, s18, $0xb8;
	[tilespmem:$0x18200] =	vst v63  }
0x80: {  	s20 =	simm.s32 $0x14200  }
0x81: {  	[tilespmem:s20], [sflag:$0x6] =	stream.indirect.gather [hbm4b:s4+s18], $0x80, s29, s18, $0xb8;
	[tilespmem:$0x18200] =	vst v63  }
0x82: {  	_ =	swait.ge [sflag:s30], $0x4000  }
0x83: {  	[sflag:s30] =	ssyncset.done $0x0  }
0x84: {  	[sflag:s30] =	ssyncadd.s32 $0xFFFFC000  }
0x85: {  	_ =	swait.ge [sflag:s28], $0x4000  }
0x86: {  	[sflag:s28] =	ssyncset.done $0x0  }
0x87: {  	s1 =	rddreg [dreg:$0x8];
	[sflag:s28] =	ssyncadd.s32 $0xFFFFC000  }
0x88: {  	[hbm4b:s1+s2] =	stream.linear.scatter [tilespmem:s22], [sflag:$0x8], $0x4000, $0x38;
	[tilespmem:$0x18200] =	vst v63  }
0x89: {  	s6 =	rddreg [dreg:$0x9]  }
0x8a: {  	[hbm4b:s6+s2] =	stream.linear.scatter [tilespmem:s23], [sflag:$0xB], $0x4000, $0x38;
	[tilespmem:$0x18200] =	vst v63  }
0x8b: {  	_ =	swait.ge [sflag:s8], $0x4000  }
0x8c: {  	[sflag:s8] =	ssyncset.done $0x0  }
0x8d: {  	[sflag:s8] =	ssyncadd.s32 $0xFFFFC000  }
0x8e: {  	_ =	swait.ge [sflag:s5], $0x4000  }
0x8f: {  	[sflag:s5] =	ssyncset.done $0x0  }
0x90: {  	[sflag:s5] =	ssyncadd.s32 $0xFFFFC000  }
0x91: {  	[tilespmem:s10], [sflag:$0x1] =	stream.indirect.gather [hbm4b:s3+s18], $0x80, s25, s18, $0xb8;
	[tilespmem:$0x18200] =	vst v63  }
0x92: {  	_ = 	snop  }
0x93: {  	[tilespmem:s11], [sflag:$0x4] =	stream.indirect.gather [hbm4b:s4+s18], $0x80, s25, s18, $0xb8;
	[tilespmem:$0x18200] =	vst v63  }
0x94: {  	_ =	swait.ge [sflag:s26], $0x4000  }
0x95: {  	[sflag:s26] =	ssyncset.done $0x0  }
0x96: {  	[sflag:s26] =	ssyncadd.s32 $0xFFFFC000  }
0x97: {  	s6 =	smov.u32 s7;
	_ =	swait.ge [sflag:s24], $0x4000  }
0x98: {  	s7 =	smov.u32 s9;
	s9 =	smov.u32 s12;
	[sflag:s24] =	ssyncset.done $0x0  }
0x99: {  	s12 =	smov.u32 s19;
	s19 =	simm.s32 $0x8200;
	[sflag:s24] =	ssyncadd.s32 $0xFFFFC000  }
0x9a: {  	[hbm4b:s9+s2] =	stream.linear.scatter [tilespmem:s19], [sflag:$0x9], $0x4000, $0x38;
	[tilespmem:$0x18200] =	vst v63  }
0x9b: {  	_ = 	snop  }
0x9c: {  	[hbm4b:s12+s2] =	stream.linear.scatter [tilespmem:s20], [sflag:$0xC], $0x4000, $0x38;
	[tilespmem:$0x18200] =	vst v63  }
0x9d: {  	_ =	swait.ge [sflag:s14], $0x4000  }
0x9e: {  	[sflag:s14] =	ssyncset.done $0x0  }
0x9f: {  	[sflag:s14] =	ssyncadd.s32 $0xFFFFC000  }
0xa0: {  	_ =	swait.ge [sflag:s13], $0x4000  }
0xa1: {  	[sflag:s13] =	ssyncset.done $0x0  }
0xa2: {  	[sflag:s13] =	ssyncadd.s32 $0xFFFFC000  }
0xa3: {  	[hbm4b:s6+s2] =	stream.linear.scatter [tilespmem:s10], [sflag:$0x7], $0x4000, $0x38;
	[tilespmem:$0x18200] =	vst v63  }
0xa4: {  	_ = 	snop  }
0xa5: {  	[hbm4b:s7+s2] =	stream.linear.scatter [tilespmem:s11], [sflag:$0xA], $0x4000, $0x38;
	[tilespmem:$0x18200] =	vst v63  }
0xa6: {  	_ =	swait.ge [sflag:s21], $0x4000  }
0xa7: {  	[sflag:s21] =	ssyncset.done $0x0  }
0xa8: {  	[sflag:s21] =	ssyncadd.s32 $0xFFFFC000  }
0xa9: {  	_ =	swait.ge [sflag:s17], $0x4000  }
0xaa: {  	[sflag:s17] =	ssyncset.done $0x0  }
0xab: {  	[sflag:s17] =	ssyncadd.s32 $0xFFFFC000  }
0xac: {  	_ =	swait.ge [sflag:s16], $0x4000  }
0xad: {  	[sflag:s16] =	ssyncset.done $0x0  }
0xae: {  	[sflag:s16] =	ssyncadd.s32 $0xFFFFC000  }
0xaf: {  	_ =	swait.ge [sflag:s15], $0x4000  }
0xb0: {  	[sflag:s15] =	ssyncset.done $0x0  }
0xb1: {  	p1 =	sne.s32 s0, $0x1;
	[sflag:s15] =	ssyncadd.s32 $0xFFFFC000  }
.Ltmp2:
0xb2: {  	_ =	swait.ge [sflag:s8], $0x4000;
	(pc) =	sbr.rel @p1 .LBB2_2-.Ltmp2, $4  }
0xb3: {  	[sflag:s8] =	ssyncset.done $0x0  }
0xb4: {  	[sflag:s8] =	ssyncadd.s32 $0xFFFFC000  }
0xb5: {  	_ =	swait.ge [sflag:s5], $0x4000  }
0xb6: {  	s0 =	sadd.s32 $0xFFFFFFFF, s0;
	s1 =	rddreg [dreg:$0x5];
	[sflag:s5] =	ssyncset.done $0x0  }
.LBB2_3:
0xb7: {  	[sflag:s5] =	ssyncadd.s32 @p0 $0xFFFFC000  }
0xb8: {  	[tilespmem:s2], [sflag:$0xD] =	stream.linear.gather [hbm4b:s1+s2], $0x200, $0x38;
	[tilespmem:$0x18200] =	vst v63  }
0xb9: {  	_ =	swait.ge [sflag:s31], $0x200  }
0xba: {  	[sflag:s31] =	ssyncset.done $0x0  }
0xbb: {  	[sflag:s31] =	ssyncadd.s32 $0xFFFFFE00  }
0xbc: {  	[tilespmem:s10], [sflag:$0x1] =	stream.indirect.gather [hbm4b:s3+s18], $0x80, s2, s18, $0xb8;
	[tilespmem:$0x18200] =	vst v63  }
0xbd: {  	_ = 	snop  }
0xbe: {  	[tilespmem:s11], [sflag:$0x4] =	stream.indirect.gather [hbm4b:s4+s18], $0x80, s2, s18, $0xb8;
	[tilespmem:$0x18200] =	vst v63  }
0xbf: {  	_ = 	snop  }
0xc0: {  	[tilespmem:s22], [sflag:$0x2] =	stream.indirect.gather [hbm4b:s3+s18], $0x80, s18, s18, $0xb8;
	[tilespmem:$0x18200] =	vst v63  }
0xc1: {  	_ = 	snop  }
0xc2: {  	[tilespmem:s23], [sflag:$0x5] =	stream.indirect.gather [hbm4b:s4+s18], $0x80, s18, s18, $0xb8;
	[tilespmem:$0x18200] =	vst v63  }
0xc3: {  	_ =	swait.ge [sflag:s14], $0x4000  }
0xc4: {  	[sflag:s14] =	ssyncset.done $0x0  }
0xc5: {  	[sflag:s14] =	ssyncadd.s32 $0xFFFFC000  }
0xc6: {  	_ =	swait.ge [sflag:s13], $0x4000  }
0xc7: {  	[sflag:s13] =	ssyncset.done $0x0  }
0xc8: {  	s0 =	rddreg [dreg:$0x6];
	[sflag:s13] =	ssyncadd.s32 $0xFFFFC000  }
0xc9: {  	[hbm4b:s0+s2] =	stream.linear.scatter [tilespmem:s10], [sflag:$0x7], $0x4000, $0x38;
	[tilespmem:$0x18200] =	vst v63  }
0xca: {  	s31 =	rddreg [dreg:$0x7]  }
0xcb: {  	[hbm4b:s31+s2] =	stream.linear.scatter [tilespmem:s11], [sflag:$0xA], $0x4000, $0x38;
	[tilespmem:$0x18200] =	vst v63  }
0xcc: {  	_ = 	snop  }
0xcd: {  	[tilespmem:s19], [sflag:$0x3] =	stream.indirect.gather [hbm4b:s3+s18], $0x80, s29, s18, $0xb8;
	[tilespmem:$0x18200] =	vst v63  }
0xce: {  	_ = 	snop  }
0xcf: {  	[tilespmem:s20], [sflag:$0x6] =	stream.indirect.gather [hbm4b:s4+s18], $0x80, s29, s18, $0xb8;
	[tilespmem:$0x18200] =	vst v63  }
0xd0: {  	_ =	swait.ge [sflag:s30], $0x4000  }
0xd1: {  	[sflag:s30] =	ssyncset.done $0x0  }
0xd2: {  	[sflag:s30] =	ssyncadd.s32 $0xFFFFC000  }
0xd3: {  	_ =	swait.ge [sflag:s28], $0x4000  }
0xd4: {  	[sflag:s28] =	ssyncset.done $0x0  }
0xd5: {  	s29 =	rddreg [dreg:$0x8];
	[sflag:s28] =	ssyncadd.s32 $0xFFFFC000  }
0xd6: {  	[hbm4b:s29+s2] =	stream.linear.scatter [tilespmem:s22], [sflag:$0x8], $0x4000, $0x38;
	[tilespmem:$0x18200] =	vst v63  }
0xd7: {  	s30 =	rddreg [dreg:$0x9]  }
0xd8: {  	[hbm4b:s30+s2] =	stream.linear.scatter [tilespmem:s23], [sflag:$0xB], $0x4000, $0x38;
	[tilespmem:$0x18200] =	vst v63  }
0xd9: {  	_ =	swait.ge [sflag:s8], $0x4000  }
0xda: {  	[sflag:s8] =	ssyncset.done $0x0  }
0xdb: {  	[sflag:s8] =	ssyncadd.s32 $0xFFFFC000  }
0xdc: {  	_ =	swait.ge [sflag:s5], $0x4000  }
0xdd: {  	[sflag:s5] =	ssyncset.done $0x0  }
0xde: {  	[sflag:s5] =	ssyncadd.s32 $0xFFFFC000  }
0xdf: {  	[tilespmem:s10], [sflag:$0x1] =	stream.indirect.gather [hbm4b:s3+s18], $0x80, s25, s18, $0xb8;
	[tilespmem:$0x18200] =	vst v63  }
0xe0: {  	_ = 	snop  }
0xe1: {  	[tilespmem:s11], [sflag:$0x4] =	stream.indirect.gather [hbm4b:s4+s18], $0x80, s25, s18, $0xb8;
	[tilespmem:$0x18200] =	vst v63  }
0xe2: {  	_ =	swait.ge [sflag:s26], $0x4000  }
0xe3: {  	[sflag:s26] =	ssyncset.done $0x0  }
0xe4: {  	[sflag:s26] =	ssyncadd.s32 $0xFFFFC000  }
0xe5: {  	_ =	swait.ge [sflag:s24], $0x4000  }
0xe6: {  	[sflag:s24] =	ssyncset.done $0x0  }
0xe7: {  	[sflag:s24] =	ssyncadd.s32 $0xFFFFC000  }
0xe8: {  	[hbm4b:s9+s2] =	stream.linear.scatter [tilespmem:s19], [sflag:$0x9], $0x4000, $0x38;
	[tilespmem:$0x18200] =	vst v63  }
0xe9: {  	_ = 	snop  }
0xea: {  	[hbm4b:s12+s2] =	stream.linear.scatter [tilespmem:s20], [sflag:$0xC], $0x4000, $0x38;
	[tilespmem:$0x18200] =	vst v63  }
0xeb: {  	_ =	swait.ge [sflag:s14], $0x4000  }
0xec: {  	[sflag:s14] =	ssyncset.done $0x0  }
0xed: {  	[sflag:s14] =	ssyncadd.s32 $0xFFFFC000  }
0xee: {  	_ =	swait.ge [sflag:s13], $0x4000  }
0xef: {  	[sflag:s13] =	ssyncset.done $0x0  }
0xf0: {  	[sflag:s13] =	ssyncadd.s32 $0xFFFFC000  }
0xf1: {  	[hbm4b:s6+s2] =	stream.linear.scatter [tilespmem:s10], [sflag:$0x7], $0x4000, $0x38;
	[tilespmem:$0x18200] =	vst v63  }
0xf2: {  	_ = 	snop  }
0xf3: {  	[hbm4b:s7+s2] =	stream.linear.scatter [tilespmem:s11], [sflag:$0xA], $0x4000, $0x38;
	[tilespmem:$0x18200] =	vst v63  }
0xf4: {  	_ =	swait.ge [sflag:s21], $0x4000  }
0xf5: {  	[sflag:s21] =	ssyncset.done $0x0  }
0xf6: {  	[sflag:s21] =	ssyncadd.s32 $0xFFFFC000  }
0xf7: {  	_ =	swait.ge [sflag:s17], $0x4000  }
0xf8: {  	[sflag:s17] =	ssyncset.done $0x0  }
0xf9: {  	[sflag:s17] =	ssyncadd.s32 $0xFFFFC000  }
0xfa: {  	_ =	swait.ge [sflag:s16], $0x4000  }
0xfb: {  	[sflag:s16] =	ssyncset.done $0x0  }
0xfc: {  	[sflag:s16] =	ssyncadd.s32 $0xFFFFC000  }
0xfd: {  	_ =	swait.ge [sflag:s15], $0x4000  }
0xfe: {  	[sflag:s15] =	ssyncset.done $0x0  }
0xff: {  	[sflag:s15] =	ssyncadd.s32 $0xFFFFC000  }
0x100: {  	_ =	swait.ge [sflag:s8], $0x4000  }
0x101: {  	[sflag:s8] =	ssyncset.done $0x0  }
0x102: {  	[sflag:s8] =	ssyncadd.s32 $0xFFFFC000  }
0x103: {  	_ =	swait.ge [sflag:s5], $0x4000  }
0x104: {  	[sflag:s5] =	ssyncset.done $0x0  }
0x105: {  	[sflag:s5] =	ssyncadd.s32 $0xFFFFC000  }
0x106: {  	_ =	sfence.sel $0x180000  }
0x107: {  	[bflag:$0x0] =	sbarrier.arrive $0xFFFF  }
0x108: {  	_ =	strace $0x90000047  }
0x109: {  	s31 =	stileid.u32;
	[bflag:$0x2] =	sbarrier.arrive $0xFFFF  }
0x10a: {  	p0 =	sne.s32 s31, $0x0;
	s0 =	rddreg [dreg:$0x4]  }
0x10b: {  	s0 =	sadd.s32 @!p0 $0x100000, s0  }
0x10c: {  	[sflag:s0] =	ssyncadd.tile.s32 @!p0 $0x1;
	_ =	shalt  }
.Lfunc_end2:
_tile_overlayer_lowered:
.L_overlay_start_2:
0x10d: {  	(tag) =	ssettag $0x2  }
0x10e: {  	s0 =	rddreg [dreg:$0x0];
	s2 =	stileid.u32  }
0x10f: {  	s1 =	rddreg [dreg:$0x1];
	p0 =	sne.s32 s2, $0x0  }
0x110: {  	s3 =	rddreg [dreg:$0x2];
	[bflag:$0x3] =	sbarrier.arrive $0xFFFF;
	s2 =	simm.s32 @!p0 $0x1C0D  }
0x111: {  	[timem:s3], [sflag:s2] =	dma.local @!p0 [hbm:s0], s1  }
0x112: {  	s0 =	simm.s32 @!p0 $0xD  }
0x113: {  	_ =	swait.ge @!p0 [sflag:s0], s1  }
0x114: {  	s1 =	ssub.s32 @!p0 $0x0, s1;
	[sflag:s0] =	ssyncset.done @!p0 $0x0  }
0x115: {  	[sflag:s0] =	ssyncadd.s32 @!p0 s1  }
0x116: {  	[bflag:$0x3] =	sbarrier.arrive $0xFFFF  }
0x117: {  	_ =	shalt  }

// kernel: kernel.9.cloned.1.call-start
scs
__scs_entry_jumppad:
0x0: {  	(pc) =	sbr.rel $0x88, $3  }
0x1: {  	(tag) =	ssettag $0x0;
	lr =	simm.s32 $0x1  }
0x2: {  	[smem:$0x3F96] =	sst lr;
	_ =	strace $0xD0000000  }
0x3: {  	_ = 	snop  }
0x4: {  	_ = 	snop  }
0x5: {  	_ = 	snop  }
0x6: {  	_ = 	snop  }
0x7: {  	_ = 	snop  }
__scs_overlays_trampoline_lowered:
0x8: {  	[smem:$0x3FA5] =	sst s0  }
0x9: {  	[smem:$0x3FA6] =	sst s1  }
0xa: {  	[smem:$0x3FA7] =	sst s2  }
0xb: {  	[smem:$0x3FA8] =	sst s3  }
0xc: {  	[smem:$0x3FA9] =	sst s4  }
0xd: {  	[smem:$0x3FAA] =	sst s5  }
0xe: {  	[smem:$0x3FAB] =	sst s6  }
0xf: {  	[smem:$0x3FAC] =	sst s7  }
0x10: {  	[smem:$0x3FAD] =	sst s8  }
0x11: {  	[smem:$0x3FAE] =	sst s9;
	s0 =	simm.s32 @!p0 $0x0  }
0x12: {  	s1 =	sld [smem:$0x3F94];
	s0 =	simm.s32 @p0 $0x1  }
0x13: {  	[smem:$0x3FAF] =	sst s0;
	s0 =	simm.s32 @!p1 $0x0  }
0x14: {  	s2 =	sld [smem:$0x3F93];
	s0 =	simm.s32 @p1 $0x1  }
0x15: {  	[smem:$0x3FB0] =	sst s0;
	s0 =	simm.s32 @!p2 $0x0  }
0x16: {  	s3 =	sld [smem:$0x3FDB];
	s0 =	simm.s32 @p2 $0x1  }
0x17: {  	s4 =	simm.s32 $0x1BF5;
	[smem:$0x3FB2] =	sst s0  }
0x18: {  	s0 =	sld [smem:$0x3F95];
	_ =	swait.ge [sflag:s4], $0x0  }
0x19: {  	s7 =	sld [smem:$0x3F96]  }
0x1a: {  	s8 =	sadd.s32 $0xFFFFE003, lr  }
0x1b: {  	s9 =	sadd.s32 $0xFFFFFEF7, lr;
	s5 =	simm.s32 $0xFFFFFFFF;
	p2 =	slt.u32 s8, $0xFFFFF086  }
0x1c: {  	p1 =	slt.u32 s9, $0xF7A;
	s5 =	simm.s32 @!p2 $0x0  }
0x1d: {  	s5 =	simm.s32 @p1 $0x1;
	p0 =	seq.s32 s7, s2  }
0x1e: {  	s7 =	smul.u32 @!p0 $0xF7A, s2;
	p2 =	seq.s32 @!p0 s5, $0x0  }
0x1f: {  	s9 =	smul.u32 $0xF7A, s1;
	s8 =	simm.s32 @!p0 $0x1BF5;
	p2 =	por !p2, p0  }
0x20: {  	[sflag:s8] =	ssyncset.s32 @!p0 $0xFFFFF086;
	s6 =	sadd.s32 @!p0 s3, s7;
	s7 =	simm.s32 @!p0 $0x108  }
0x21: {  	s3 =	sadd.s32 s3, s9;
	s6 =	sadd.s32 @!p0 $0x88, s6;
	s7 =	simm.s32 @p2 $0x1082  }
0x22: {  	[simem:s7], [sflag:s8] =	dma.local @!p0 [hbm:s6], $0xF7A  }
0x23: {  	s9 =	sor.u32 $0xD0000000, s2;
	s6 =	simm.s32 $0x108;
	_ =	swait.ge @!p0 [sflag:s8], $0x0  }
0x24: {  	s3 =	sadd.s32 $0x88, s3;
	s6 =	simm.s32 @!p1 $0x1082;
	[sflag:s4] =	ssyncset.s32 $0xFFFFF086  }
0x25: {  	[simem:s6], [sflag:s4] =	dma.local [hbm:s3], $0xF7A  }
0x26: {  	[smem:$0x3F96] =	sst s1;
	(tag) =	ssettag s2;
	_ =	strace s9  }
0x27: {  	s1 =	sld [smem:$0x3FA6]  }
0x28: {  	s2 =	sld [smem:$0x3FA7]  }
0x29: {  	s4 =	sld [smem:$0x3FA9]  }
0x2a: {  	p0 =	seq.s32 s5, $0x0;
	s5 =	sld [smem:$0x3FAA]  }
0x2b: {  	s6 =	sld [smem:$0x3FAB]  }
0x2c: {  	s7 =	sld [smem:$0x3FAC]  }
0x2d: {  	s3 =	simm.s32 $0x108;
	s8 =	sld [smem:$0x3FAD]  }
0x2e: {  	s3 =	simm.s32 @!p0 $0x1082;
	s9 =	sld [smem:$0x3FAE]  }
0x2f: {  	lr =	sadd.s32 s0, s3;
	s0 =	sld [smem:$0x3FA5]  }
0x30: {  	s3 =	sld [smem:$0x3FA8]  }
0x31: {  	[smem:$0x3FB1] =	sst s10  }
0x32: {  	s10 =	sld [smem:$0x3FAF];
	_ =	sdelay $0x3  }
0x33: {  	p0 =	seq.s32 s10, $0x1;
	s10 =	sld [smem:$0x3FB1];
	_ =	sdelay $0x3  }
0x34: {  	[smem:$0x3FB1] =	sst s10  }
0x35: {  	s10 =	sld [smem:$0x3FB0];
	_ =	sdelay $0x3  }
0x36: {  	p1 =	seq.s32 s10, $0x1;
	s10 =	sld [smem:$0x3FB1];
	_ =	sdelay $0x3  }
0x37: {  	[smem:$0x3FB1] =	sst s10  }
0x38: {  	s10 =	sld [smem:$0x3FB2]  }
0x39: {  	_ = 	snop;
	(pc) =	sbr.ind lr, $3  }
0x3a: {  	_ = 	snop  }
0x3b: {  	_ = 	snop  }
0x3c: {  	p2 =	seq.s32 s10, $0x1;
	s10 =	sld [smem:$0x3FB1]  }
0x3d: {  	_ =	shalt  }
0x3e: {  	_ =	shalt  }
0x3f: {  	_ =	shalt  }
0x40: {  	_ =	shalt  }
0x41: {  	_ =	shalt  }
0x42: {  	_ =	shalt  }
0x43: {  	_ =	shalt  }
0x44: {  	_ =	shalt  }
0x45: {  	_ =	shalt  }
0x46: {  	_ =	shalt  }
0x47: {  	_ =	shalt  }
0x48: {  	_ =	shalt  }
0x49: {  	_ =	shalt  }
0x4a: {  	_ =	shalt  }
0x4b: {  	_ =	shalt  }
0x4c: {  	_ =	shalt  }
0x4d: {  	_ =	shalt  }
0x4e: {  	_ =	shalt  }
0x4f: {  	_ =	shalt  }
0x50: {  	_ =	shalt  }
0x51: {  	_ =	shalt  }
0x52: {  	_ =	shalt  }
0x53: {  	_ =	shalt  }
0x54: {  	_ =	shalt  }
0x55: {  	_ =	shalt  }
0x56: {  	_ =	shalt  }
0x57: {  	_ =	shalt  }
0x58: {  	_ =	shalt  }
0x59: {  	_ =	shalt  }
0x5a: {  	_ =	shalt  }
0x5b: {  	_ =	shalt  }
0x5c: {  	_ =	shalt  }
0x5d: {  	_ =	shalt  }
0x5e: {  	_ =	shalt  }
0x5f: {  	_ =	shalt  }
0x60: {  	_ =	shalt  }
0x61: {  	_ =	shalt  }
0x62: {  	_ =	shalt  }
0x63: {  	_ =	shalt  }
0x64: {  	_ =	shalt  }
0x65: {  	_ =	shalt  }
0x66: {  	_ =	shalt  }
0x67: {  	_ =	shalt  }
0x68: {  	_ =	shalt  }
0x69: {  	_ =	shalt  }
0x6a: {  	_ =	shalt  }
0x6b: {  	_ =	shalt  }
0x6c: {  	_ =	shalt  }
0x6d: {  	_ =	shalt  }
0x6e: {  	_ =	shalt  }
0x6f: {  	_ =	shalt  }
0x70: {  	_ =	shalt  }
0x71: {  	_ =	shalt  }
0x72: {  	_ =	shalt  }
0x73: {  	_ =	shalt  }
0x74: {  	_ =	shalt  }
0x75: {  	_ =	shalt  }
0x76: {  	_ =	shalt  }
0x77: {  	_ =	shalt  }
0x78: {  	_ =	shalt  }
0x79: {  	_ =	shalt  }
0x7a: {  	_ =	shalt  }
0x7b: {  	_ =	shalt  }
0x7c: {  	_ =	shalt  }
0x7d: {  	_ =	shalt  }
0x7e: {  	_ =	shalt  }
0x7f: {  	_ =	shalt  }
0x80: {  	_ =	shalt  }
0x81: {  	_ =	shalt  }
0x82: {  	_ =	shalt  }
0x83: {  	_ =	shalt  }
0x84: {  	_ =	shalt  }
0x85: {  	_ =	shalt  }
0x86: {  	_ =	shalt  }
0x87: {  	_ =	shalt  }
.Lfunc_end0:
.L_simem_size_0:
called_computation.1_lowered:
.L_overlay_start_0:
0x88: {  	s2 =	sld [smem:$0x3FD9]  }
0x89: {  	s3 =	sld [smem:$0x3FFE];
	_ =	sdelay $0x1  }
0x8a: {  	s1 =	srdreg.scid  }
0x8b: {  	s0 =	sand.u32 $0x1, s1  }
0x8c: {  	s15 =	sshll.u32 s0, $0xA;
	s2 =	sadd.s32 s3, s2  }
0x8d: {  	s2 =	sadd.s32 s2, s15  }
0x8e: {  	[smem:$0x3FBD] =	sst s2  }
0x8f: {  	_ = 	snop  }
0x90: {  	s4 =	sld [smem:$0x3FD0];
	_ =	sdelay $0x1  }
0x91: {  	s2 =	sld [smem:$0x3FC6]  }
0x92: {  	s5 =	simm.s32 $0xB;
	s6 =	simm.s32 $0x10;
	s16 =	sld [smem:$0x3FC5]  }
0x93: {  	[smem:s6], [sflag:s5] =	dma.local [hbm:s4], $0x1  }
0x94: {  	_ =	swait.eq [sflag:s5], $0x1  }
0x95: {  	[sflag:s5] =	ssyncset.done $0x0  }
0x96: {  	[sflag:s5] =	ssyncadd.s32 $0xFFFFFFFF  }
0x97: {  	s17 =	sld [smem:$0x11];
	(tm) =	ssettm $0x1  }
0x98: {  	s18 =	sld [smem:$0x3FFB];
	_ =	sdelay $0x3  }
0x99: {  	_ =	strace s18  }
0x9a: {  	s4 =	sld [smem:$0x3FFC];
	_ =	sdelay $0x3  }
0x9b: {  	_ =	strace s4  }
0x9c: {  	s4 =	sld [smem:$0x3FFD];
	_ =	sdelay $0x3  }
0x9d: {  	_ =	strace s4  }
0x9e: {  	_ =	strace $0x8FFFFFFF  }
0x9f: {  	s19 =	sld [smem:$0x3FDB];
	_ =	sdelay $0x1  }
0xa0: {  	s20 =	simm.s32 $_scs_section_size  }
0xa1: {  	s7 =	simm.s32 $_size__tile_overlayer_lowered;
	s8 =	simm.s32 $_tile_overlayer_lowered  }
0xa2: {  	s9 =	simm.s32 $0x1BFF;
	s21 =	sshll.u32 s8, $0x1;
	s6 =	sadd.s32 s20, s19  }
0xa3: {  	s22 =	simm.s32 $0x0;
	s7 =	sshll.u32 s7, $0x1;
	s8 =	sadd.s32 s21, s6  }
0xa4: {  	[timem:s22], [sflag:s9] =	dma.local [hbm:s8], s7  }
0xa5: {  	_ =	swait.ge [sflag:s9], s7  }
0xa6: {  	s7 =	ssub.s32 $0x0, s7;
	[sflag:s9] =	ssyncset.done $0x0  }
0xa7: {  	[sflag:s9] =	ssyncadd.s32 s7;
	_ =	sdelay $0x1  }
0xa8: {  	s23 =	simm.s32 $0x1B8B  }
0xa9: {  	_ =	swait.ge [sflag:s23], $0x1  }
0xaa: {  	[sflag:s23] =	ssyncset.done $0x0  }
0xab: {  	[sflag:s23] =	ssyncadd.s32 $0xFFFFFFFF  }
0xac: {  	s7 =	sld [smem:$0x0]  }
0xad: {  	s8 =	sand.u32 $0xFFFFFFFE, s1  }
0xae: {  	p0 =	sne.s32 s1, s8  }
0xaf: {  	s8 =	sshll.u32 @p0 s8, $0xE  }
0xb0: {  	s8 =	sadd.s32 @p0 $0x11B8D, s8;
	s9 =	sshll.u32 @p0 s7, $0x11  }
0xb1: {  	s8 =	sor.u32 @p0 s9, s8  }
0xb2: {  	[sflag:s8] =	ssyncadd.remote.s32 @p0 $0x1;
	_ =	sdelay $0x1  }
0xb3: {  	s8 =	simm.s32 @p0 $0x1B8D  }
0xb4: {  	_ =	swait.eq @p0 [sflag:s8], $0x1  }
0xb5: {  	[sflag:s8] =	ssyncadd.s32 @p0 $0xFFFFFFFF  }
0xb6: {  	s9 =	sshll.u32 @!p0 s1, $0xE  }
0xb7: {  	s9 =	sor.u32 @!p0 $0x4000, s9;
	s8 =	simm.s32 @!p0 $0x1B8D  }
0xb8: {  	s7 =	sshll.u32 @!p0 s7, $0x11;
	s9 =	sadd.s32 @!p0 $0x11B8D, s9;
	_ =	swait.eq @!p0 [sflag:s8], $0x1  }
0xb9: {  	s7 =	sor.u32 @!p0 s7, s9;
	[sflag:s8] =	ssyncadd.s32 @!p0 $0xFFFFFFFF  }
0xba: {  	s25 =	simm.s32 $0x1B8E;
	s24 =	sld [smem:$0x3FFE];
	[sflag:s7] =	ssyncadd.remote.s32 @!p0 $0x1  }
0xbb: {  	s26 =	simm.s32 $execute0_lowered;
	[smem:$0x3FD2] =	sst s25  }
0xbc: {  	s8 =	sshll.u32 s26, $0x1;
	_ =	strace $0x80000049;
	[dreg:$0x1] =	wrdreg $0xFFFFFFFF  }
0xbd: {  	s28 =	simm.s32 $_size_execute0_lowered;
	s6 =	sadd.s32 s6, s8;
	[dreg:$0x0] =	wrdreg $0x0  }
0xbe: {  	s8 =	sshll.u32 s28, $0x1;
	[dreg:$0x2] =	wrdreg s6  }
0xbf: {  	[dreg:$0x3] =	wrdreg s8  }
0xc0: {  	[dreg:$0x4] =	wrdreg $0xC0  }
0xc1: {  	_ =	task [dreg:s22], $0x5FFFF  }
0xc2: {  	[dreg:$0x1] =	wrdreg $0xFFFFFFFF  }
0xc3: {  	[dreg:$0x0] =	wrdreg $0x60  }
0xc4: {  	[dreg:$0x2] =	wrdreg s2  }
0xc5: {  	[dreg:$0x3] =	wrdreg s16  }
0xc6: {  	[dreg:$0x4] =	wrdreg s17  }
0xc7: {  	[dreg:$0x5] =	wrdreg s24  }
0xc8: {  	[dreg:$0x6] =	wrdreg $0xA  }
0xc9: {  	_ =	task.clear_ibuf [dreg:s22], $0x7FFFF;
	_ =	strace $0x90000049  }
0xca: {  	s29 =	simm.s32 $0xA;
	_ =	strace $0x8000004B  }
0xcb: {  	_ =	swait.ge [sflag:s29], $0x1  }
0xcc: {  	[sflag:s29] =	ssyncadd.s32 $0xFFFFFFFF  }
0xcd: {  	_ =	strace $0x9000004B  }
0xce: {  	_ =	sfence  }
0xcf: {  	s30 =	sld [smem:$0x0];
	_ =	sdelay $0x2  }
0xd0: {  	s31 =	sshll.u32 s1, $0xD;
	s1 =	sshrl.u32 s1, $0x2  }
0xd1: {  	s3 =	sand.u32 $0x4000, s31;
	s1 =	sadd.s32 s1, s30  }
0xd2: {  	s0 =	sor.u32 s3, s0;
	s1 =	sshll.u32 s1, $0x11  }
0xd3: {  	s0 =	sor.u32 s1, s0  }
0xd4: {  	s0 =	sadd.s32 $0x8F2B, s0  }
0xd5: {  	[sflag:s0] =	ssyncadd.remote.s32 $0x1  }
0xd6: {  	_ =	sfence.sel $0xFFFF  }
0xd7: {  	[dreg:$0x0] =	wrdreg $0xFFFFFFFF;
	(pc) =	sbr.abs _section_cstart, $3  }
0xd8: {  	[dreg:$0x1] =	wrdreg $0xFFFFFFFF  }
0xd9: {  	_ =	task.clear_ibuf [dreg:s22], $0x2FFFF;
	_ =	strace $0x9FFFFFFF  }
0xda: {  	(tm) =	ssettm $0x7FFFFFFF  }
0xdb: {  	_ =	shalt  }
tec
execute0_lowered:
.L_overlay_start_1:
0x0: {  	(tag) =	ssettag $0x1  }
0x1: {  	s3 =	rddreg [dreg:$0x0]  }
0x2: {  	s4 =	rddreg [dreg:$0x1]  }
0x3: {  	s0 =	rddreg [dreg:$0x2]  }
0x4: {  	s1 =	rddreg [dreg:$0x3];
	s5 =	srdreg.scid  }
0x5: {  	s2 =	simm.s32 $0x0;
	s6 =	stileid.u32;
	s31 =	simm.s32 $0xD  }
0x6: {  	s10 =	simm.s32 $0x200;
	s11 =	simm.s32 $0xC200;
	s14 =	simm.s32 $0x1  }
0x7: {  	s13 =	simm.s32 $0x4;
	s29 =	simm.s32 $0x100;
	s30 =	simm.s32 $0x2  }
0x8: {  	s28 =	simm.s32 $0x5;
	p0 =	por $0x0, $0x0;
	s17 =	simm.s32 $0xB  }
0x9: {  	s16 =	simm.s32 $0x9;
	s15 =	simm.s32 $0xC;
	s5 =	sand.u32 $0x1, s5  }
0xa: {  	[smem:$0x7FF] =	sst s2;
	s6 =	sshll.u32 s6, $0xA;
	s18 =	sadd.s32 $0x83200, s1  }
0xb: {  	s1 =	sadd.s32 $0xC3200, s1;
	s7 =	sshll.u32 s5, $0x9;
	s5 =	ssub.s32 $0x2, s5  }
0xc: {  	_ =	strace $0x8000004A;
	s6 =	sor.u32 s7, s6;
	s19 =	sshrl.u32 s5, $0x1  }
0xd: {  	s8 =	sshrl.u32 s6, $0x3;
	s6 =	sshll.u32 s6, $0x4;
	s5 =	ssub.s32 s5, s19  }
0xe: {  	s19 =	simm.s32 $0x8200;
	s0 =	sadd.s32 s0, s8;
	s20 =	sadd.s32 s18, s6  }
0xf: {  	s21 =	sadd.s32 s1, s6;
	s9 =	sor.u32 $0x800, s6;
	s24 =	sor.u32 $0x1000, s6  }
0x10: {  	s25 =	sor.u32 $0x1800, s6;
	s26 =	smax.u32 s5, $0x1;
	[dreg:$0x5] =	wrdreg s0  }
0x11: {  	s8 =	simm.s32 $0x7;
	s5 =	simm.s32 $0xA;
	[dreg:$0x6] =	wrdreg s20  }
0x12: {  	[dreg:$0x7] =	wrdreg s21;
	s22 =	sadd.s32 s18, s9;
	s23 =	sadd.s32 s1, s9  }
0x13: {  	s9 =	sadd.s32 s18, s24;
	s12 =	sadd.s32 s1, s24;
	p1 =	sne.s32 s26, $0x1  }
.Ltmp0:
0x14: {  	s6 =	sadd.s32 s18, s25;
	s7 =	sadd.s32 s1, s25;
	(pc) =	sbr.rel @!p1 .LBB2_3-.Ltmp0, $4  }
0x15: {  	s18 =	simm.s32 $0x80;
	s20 =	simm.s32 $0x14200;
	s25 =	simm.s32 $0x180  }
0x16: {  	s0 =	sadd.s32 $0xFFFFFFFF, s26;
	s26 =	simm.s32 $0x3;
	[dreg:$0x8] =	wrdreg s22  }
0x17: {  	s24 =	simm.s32 $0x6;
	s21 =	simm.s32 $0x8;
	[dreg:$0x9] =	wrdreg s23  }
0x18: {  	s22 =	simm.s32 $0x4200;
	s23 =	simm.s32 $0x10200;
	s1 =	rddreg [dreg:$0x5]  }
0x19: {  	[tilespmem:s2], [sflag:$0xD] =	stream.linear.gather [hbm4b:s1+s2], $0x200, $0x38;
	[tilespmem:$0x18200] =	vst v63  }
0x1a: {  	_ =	swait.ge [sflag:s31], $0x200  }
0x1b: {  	[sflag:s31] =	ssyncset.done $0x0  }
0x1c: {  	[sflag:s31] =	ssyncadd.s32 $0xFFFFFE00  }
0x1d: {  	[tilespmem:s10], [sflag:$0x1] =	stream.indirect.gather [hbm4b:s3+s18], $0x80, s2, s18, $0xb8;
	[tilespmem:$0x18200] =	vst v63  }
0x1e: {  	_ = 	snop  }
0x1f: {  	[tilespmem:s11], [sflag:$0x4] =	stream.indirect.gather [hbm4b:s4+s18], $0x80, s2, s18, $0xb8;
	[tilespmem:$0x18200] =	vst v63  }
0x20: {  	_ = 	snop  }
0x21: {  	[tilespmem:s22], [sflag:$0x2] =	stream.indirect.gather [hbm4b:s3+s18], $0x80, s18, s18, $0xb8;
	[tilespmem:$0x18200] =	vst v63  }
0x22: {  	_ = 	snop  }
0x23: {  	[tilespmem:s23], [sflag:$0x5] =	stream.indirect.gather [hbm4b:s4+s18], $0x80, s18, s18, $0xb8;
	[tilespmem:$0x18200] =	vst v63  }
0x24: {  	_ =	swait.ge [sflag:s14], $0x4000  }
0x25: {  	[sflag:s14] =	ssyncset.done $0x0  }
0x26: {  	[sflag:s14] =	ssyncadd.s32 $0xFFFFC000  }
0x27: {  	_ =	swait.ge [sflag:s13], $0x4000  }
0x28: {  	[dreg:$0xa] =	wrdreg s0;
	[sflag:s13] =	ssyncset.done $0x0  }
0x29: {  	s1 =	rddreg [dreg:$0x6];
	[sflag:s13] =	ssyncadd.s32 $0xFFFFC000  }
0x2a: {  	[hbm4b:s1+s2] =	stream.linear.scatter [tilespmem:s10], [sflag:$0x7], $0x4000, $0x38;
	[tilespmem:$0x18200] =	vst v63  }
0x2b: {  	s0 =	rddreg [dreg:$0x7]  }
0x2c: {  	[hbm4b:s0+s2] =	stream.linear.scatter [tilespmem:s11], [sflag:$0xA], $0x4000, $0x38;
	[tilespmem:$0x18200] =	vst v63  }
0x2d: {  	_ = 	snop  }
0x2e: {  	[tilespmem:s19], [sflag:$0x3] =	stream.indirect.gather [hbm4b:s3+s18], $0x80, s29, s18, $0xb8;
	[tilespmem:$0x18200] =	vst v63  }
0x2f: {  	_ = 	snop  }
0x30: {  	[tilespmem:s20], [sflag:$0x6] =	stream.indirect.gather [hbm4b:s4+s18], $0x80, s29, s18, $0xb8;
	[tilespmem:$0x18200] =	vst v63  }
0x31: {  	_ =	swait.ge [sflag:s30], $0x4000  }
0x32: {  	[sflag:s30] =	ssyncset.done $0x0  }
0x33: {  	[sflag:s30] =	ssyncadd.s32 $0xFFFFC000  }
0x34: {  	_ =	swait.ge [sflag:s28], $0x4000  }
0x35: {  	[sflag:s28] =	ssyncset.done $0x0  }
0x36: {  	s0 =	rddreg [dreg:$0x8];
	[sflag:s28] =	ssyncadd.s32 $0xFFFFC000  }
0x37: {  	[hbm4b:s0+s2] =	stream.linear.scatter [tilespmem:s22], [sflag:$0x8], $0x4000, $0x38;
	[tilespmem:$0x18200] =	vst v63  }
0x38: {  	s1 =	rddreg [dreg:$0x9]  }
0x39: {  	[hbm4b:s1+s2] =	stream.linear.scatter [tilespmem:s23], [sflag:$0xB], $0x4000, $0x38;
	[tilespmem:$0x18200] =	vst v63  }
0x3a: {  	_ =	swait.ge [sflag:s8], $0x4000  }
0x3b: {  	[sflag:s8] =	ssyncset.done $0x0  }
0x3c: {  	[sflag:s8] =	ssyncadd.s32 $0xFFFFC000  }
0x3d: {  	_ =	swait.ge [sflag:s5], $0x4000  }
0x3e: {  	[sflag:s5] =	ssyncset.done $0x0  }
0x3f: {  	[sflag:s5] =	ssyncadd.s32 $0xFFFFC000  }
0x40: {  	[tilespmem:s10], [sflag:$0x1] =	stream.indirect.gather [hbm4b:s3+s18], $0x80, s25, s18, $0xb8;
	[tilespmem:$0x18200] =	vst v63  }
0x41: {  	_ = 	snop  }
0x42: {  	[tilespmem:s11], [sflag:$0x4] =	stream.indirect.gather [hbm4b:s4+s18], $0x80, s25, s18, $0xb8;
	[tilespmem:$0x18200] =	vst v63  }
0x43: {  	_ =	swait.ge [sflag:s26], $0x4000  }
0x44: {  	[sflag:s26] =	ssyncset.done $0x0  }
0x45: {  	[sflag:s26] =	ssyncadd.s32 $0xFFFFC000  }
0x46: {  	_ =	swait.ge [sflag:s24], $0x4000  }
0x47: {  	[sflag:s24] =	ssyncset.done $0x0  }
0x48: {  	[sflag:s24] =	ssyncadd.s32 $0xFFFFC000  }
0x49: {  	[hbm4b:s9+s2] =	stream.linear.scatter [tilespmem:s19], [sflag:$0x9], $0x4000, $0x38;
	[tilespmem:$0x18200] =	vst v63  }
0x4a: {  	_ = 	snop  }
0x4b: {  	[hbm4b:s12+s2] =	stream.linear.scatter [tilespmem:s20], [sflag:$0xC], $0x4000, $0x38;
	[tilespmem:$0x18200] =	vst v63  }
0x4c: {  	_ =	swait.ge [sflag:s14], $0x4000  }
0x4d: {  	[sflag:s14] =	ssyncset.done $0x0  }
0x4e: {  	[sflag:s14] =	ssyncadd.s32 $0xFFFFC000  }
0x4f: {  	_ =	swait.ge [sflag:s13], $0x4000  }
0x50: {  	[sflag:s13] =	ssyncset.done $0x0  }
0x51: {  	[sflag:s13] =	ssyncadd.s32 $0xFFFFC000  }
0x52: {  	[hbm4b:s6+s2] =	stream.linear.scatter [tilespmem:s10], [sflag:$0x7], $0x4000, $0x38;
	[tilespmem:$0x18200] =	vst v63  }
0x53: {  	_ = 	snop  }
0x54: {  	[hbm4b:s7+s2] =	stream.linear.scatter [tilespmem:s11], [sflag:$0xA], $0x4000, $0x38;
	[tilespmem:$0x18200] =	vst v63  }
0x55: {  	_ =	swait.ge [sflag:s21], $0x4000  }
0x56: {  	[sflag:s21] =	ssyncset.done $0x0  }
0x57: {  	[sflag:s21] =	ssyncadd.s32 $0xFFFFC000  }
0x58: {  	_ =	swait.ge [sflag:s17], $0x4000  }
0x59: {  	[sflag:s17] =	ssyncset.done $0x0  }
0x5a: {  	[sflag:s17] =	ssyncadd.s32 $0xFFFFC000  }
0x5b: {  	_ =	swait.ge [sflag:s16], $0x4000  }
0x5c: {  	[sflag:s16] =	ssyncset.done $0x0  }
0x5d: {  	[sflag:s16] =	ssyncadd.s32 $0xFFFFC000  }
0x5e: {  	_ =	swait.ge [sflag:s15], $0x4000  }
0x5f: {  	[sflag:s15] =	ssyncset.done $0x0  }
0x60: {  	[sflag:s15] =	ssyncadd.s32 $0xFFFFC000  }
0x61: {  	_ =	swait.ge [sflag:s8], $0x4000  }
0x62: {  	s1 =	rddreg [dreg:$0xa]  }
0x63: {  	p1 =	sne.s32 s1, $0x1  }
.Ltmp1:
0x64: {  	_ = 	snop;
	(pc) =	sbr.rel @!p1 .LBB2_3-.Ltmp1, $4  }
0x65: {  	[sflag:s8] =	ssyncset.done $0x0  }
0x66: {  	[sflag:s8] =	ssyncadd.s32 $0xFFFFC000  }
0x67: {  	p0 =	por $0x1, $0x1;
	_ =	swait.ge [sflag:s5], $0x4000  }
0x68: {  	s0 =	sadd.s32 $0xFFFFFFFF, s1;
	s1 =	rddreg [dreg:$0x5];
	[sflag:s5] =	ssyncset.done $0x0  }
.LBB2_2:
0x69: {  	[sflag:s5] =	ssyncadd.s32 $0xFFFFC000  }
0x6a: {  	[tilespmem:s2], [sflag:$0xD] =	stream.linear.gather [hbm4b:s1+s2], $0x200, $0x38;
	[tilespmem:$0x18200] =	vst v63  }
0x6b: {  	_ =	swait.ge [sflag:s31], $0x200  }
0x6c: {  	[sflag:s31] =	ssyncset.done $0x0  }
0x6d: {  	[sflag:s31] =	ssyncadd.s32 $0xFFFFFE00  }
0x6e: {  	[tilespmem:s10], [sflag:$0x1] =	stream.indirect.gather [hbm4b:s3+s18], $0x80, s2, s18, $0xb8;
	[tilespmem:$0x18200] =	vst v63  }
0x6f: {  	_ = 	snop  }
0x70: {  	[tilespmem:s11], [sflag:$0x4] =	stream.indirect.gather [hbm4b:s4+s18], $0x80, s2, s18, $0xb8;
	[tilespmem:$0x18200] =	vst v63  }
0x71: {  	_ = 	snop  }
0x72: {  	[tilespmem:s22], [sflag:$0x2] =	stream.indirect.gather [hbm4b:s3+s18], $0x80, s18, s18, $0xb8;
	[tilespmem:$0x18200] =	vst v63  }
0x73: {  	_ = 	snop  }
0x74: {  	[tilespmem:s23], [sflag:$0x5] =	stream.indirect.gather [hbm4b:s4+s18], $0x80, s18, s18, $0xb8;
	[tilespmem:$0x18200] =	vst v63  }
0x75: {  	_ =	swait.ge [sflag:s14], $0x4000  }
0x76: {  	[sflag:s14] =	ssyncset.done $0x0  }
0x77: {  	[sflag:s14] =	ssyncadd.s32 $0xFFFFC000  }
0x78: {  	_ =	swait.ge [sflag:s13], $0x4000  }
0x79: {  	s19 =	smov.u32 s12;
	[sflag:s13] =	ssyncset.done $0x0  }
0x7a: {  	s12 =	smov.u32 s9;
	s1 =	rddreg [dreg:$0x6];
	[sflag:s13] =	ssyncadd.s32 $0xFFFFC000  }
0x7b: {  	[hbm4b:s1+s2] =	stream.linear.scatter [tilespmem:s10], [sflag:$0x7], $0x4000, $0x38;
	[tilespmem:$0x18200] =	vst v63  }
0x7c: {  	s9 =	smov.u32 s7;
	s7 =	smov.u32 s6;
	s6 =	rddreg [dreg:$0x7]  }
0x7d: {  	[hbm4b:s6+s2] =	stream.linear.scatter [tilespmem:s11], [sflag:$0xA], $0x4000, $0x38;
	[tilespmem:$0x18200] =	vst v63  }
0x7e: {  	s20 =	simm.s32 $0x8200  }
0x7f: {  	[tilespmem:s20], [sflag:$0x3] =	stream.indirect.gather [hbm4b:s3+s18], $0x80, s29, s18, $0xb8;
	[tilespmem:$0x18200] =	vst v63  }
0x80: {  	s20 =	simm.s32 $0x14200  }
0x81: {  	[tilespmem:s20], [sflag:$0x6] =	stream.indirect.gather [hbm4b:s4+s18], $0x80, s29, s18, $0xb8;
	[tilespmem:$0x18200] =	vst v63  }
0x82: {  	_ =	swait.ge [sflag:s30], $0x4000  }
0x83: {  	[sflag:s30] =	ssyncset.done $0x0  }
0x84: {  	[sflag:s30] =	ssyncadd.s32 $0xFFFFC000  }
0x85: {  	_ =	swait.ge [sflag:s28], $0x4000  }
0x86: {  	[sflag:s28] =	ssyncset.done $0x0  }
0x87: {  	s1 =	rddreg [dreg:$0x8];
	[sflag:s28] =	ssyncadd.s32 $0xFFFFC000  }
0x88: {  	[hbm4b:s1+s2] =	stream.linear.scatter [tilespmem:s22], [sflag:$0x8], $0x4000, $0x38;
	[tilespmem:$0x18200] =	vst v63  }
0x89: {  	s6 =	rddreg [dreg:$0x9]  }
0x8a: {  	[hbm4b:s6+s2] =	stream.linear.scatter [tilespmem:s23], [sflag:$0xB], $0x4000, $0x38;
	[tilespmem:$0x18200] =	vst v63  }
0x8b: {  	_ =	swait.ge [sflag:s8], $0x4000  }
0x8c: {  	[sflag:s8] =	ssyncset.done $0x0  }
0x8d: {  	[sflag:s8] =	ssyncadd.s32 $0xFFFFC000  }
0x8e: {  	_ =	swait.ge [sflag:s5], $0x4000  }
0x8f: {  	[sflag:s5] =	ssyncset.done $0x0  }
0x90: {  	[sflag:s5] =	ssyncadd.s32 $0xFFFFC000  }
0x91: {  	[tilespmem:s10], [sflag:$0x1] =	stream.indirect.gather [hbm4b:s3+s18], $0x80, s25, s18, $0xb8;
	[tilespmem:$0x18200] =	vst v63  }
0x92: {  	_ = 	snop  }
0x93: {  	[tilespmem:s11], [sflag:$0x4] =	stream.indirect.gather [hbm4b:s4+s18], $0x80, s25, s18, $0xb8;
	[tilespmem:$0x18200] =	vst v63  }
0x94: {  	_ =	swait.ge [sflag:s26], $0x4000  }
0x95: {  	[sflag:s26] =	ssyncset.done $0x0  }
0x96: {  	[sflag:s26] =	ssyncadd.s32 $0xFFFFC000  }
0x97: {  	s6 =	smov.u32 s7;
	_ =	swait.ge [sflag:s24], $0x4000  }
0x98: {  	s7 =	smov.u32 s9;
	s9 =	smov.u32 s12;
	[sflag:s24] =	ssyncset.done $0x0  }
0x99: {  	s12 =	smov.u32 s19;
	s19 =	simm.s32 $0x8200;
	[sflag:s24] =	ssyncadd.s32 $0xFFFFC000  }
0x9a: {  	[hbm4b:s9+s2] =	stream.linear.scatter [tilespmem:s19], [sflag:$0x9], $0x4000, $0x38;
	[tilespmem:$0x18200] =	vst v63  }
0x9b: {  	_ = 	snop  }
0x9c: {  	[hbm4b:s12+s2] =	stream.linear.scatter [tilespmem:s20], [sflag:$0xC], $0x4000, $0x38;
	[tilespmem:$0x18200] =	vst v63  }
0x9d: {  	_ =	swait.ge [sflag:s14], $0x4000  }
0x9e: {  	[sflag:s14] =	ssyncset.done $0x0  }
0x9f: {  	[sflag:s14] =	ssyncadd.s32 $0xFFFFC000  }
0xa0: {  	_ =	swait.ge [sflag:s13], $0x4000  }
0xa1: {  	[sflag:s13] =	ssyncset.done $0x0  }
0xa2: {  	[sflag:s13] =	ssyncadd.s32 $0xFFFFC000  }
0xa3: {  	[hbm4b:s6+s2] =	stream.linear.scatter [tilespmem:s10], [sflag:$0x7], $0x4000, $0x38;
	[tilespmem:$0x18200] =	vst v63  }
0xa4: {  	_ = 	snop  }
0xa5: {  	[hbm4b:s7+s2] =	stream.linear.scatter [tilespmem:s11], [sflag:$0xA], $0x4000, $0x38;
	[tilespmem:$0x18200] =	vst v63  }
0xa6: {  	_ =	swait.ge [sflag:s21], $0x4000  }
0xa7: {  	[sflag:s21] =	ssyncset.done $0x0  }
0xa8: {  	[sflag:s21] =	ssyncadd.s32 $0xFFFFC000  }
0xa9: {  	_ =	swait.ge [sflag:s17], $0x4000  }
0xaa: {  	[sflag:s17] =	ssyncset.done $0x0  }
0xab: {  	[sflag:s17] =	ssyncadd.s32 $0xFFFFC000  }
0xac: {  	_ =	swait.ge [sflag:s16], $0x4000  }
0xad: {  	[sflag:s16] =	ssyncset.done $0x0  }
0xae: {  	[sflag:s16] =	ssyncadd.s32 $0xFFFFC000  }
0xaf: {  	_ =	swait.ge [sflag:s15], $0x4000  }
0xb0: {  	[sflag:s15] =	ssyncset.done $0x0  }
0xb1: {  	p1 =	sne.s32 s0, $0x1;
	[sflag:s15] =	ssyncadd.s32 $0xFFFFC000  }
.Ltmp2:
0xb2: {  	_ =	swait.ge [sflag:s8], $0x4000;
	(pc) =	sbr.rel @p1 .LBB2_2-.Ltmp2, $4  }
0xb3: {  	[sflag:s8] =	ssyncset.done $0x0  }
0xb4: {  	[sflag:s8] =	ssyncadd.s32 $0xFFFFC000  }
0xb5: {  	_ =	swait.ge [sflag:s5], $0x4000  }
0xb6: {  	s0 =	sadd.s32 $0xFFFFFFFF, s0;
	s1 =	rddreg [dreg:$0x5];
	[sflag:s5] =	ssyncset.done $0x0  }
.LBB2_3:
0xb7: {  	[sflag:s5] =	ssyncadd.s32 @p0 $0xFFFFC000  }
0xb8: {  	[tilespmem:s2], [sflag:$0xD] =	stream.linear.gather [hbm4b:s1+s2], $0x200, $0x38;
	[tilespmem:$0x18200] =	vst v63  }
0xb9: {  	_ =	swait.ge [sflag:s31], $0x200  }
0xba: {  	[sflag:s31] =	ssyncset.done $0x0  }
0xbb: {  	[sflag:s31] =	ssyncadd.s32 $0xFFFFFE00  }
0xbc: {  	[tilespmem:s10], [sflag:$0x1] =	stream.indirect.gather [hbm4b:s3+s18], $0x80, s2, s18, $0xb8;
	[tilespmem:$0x18200] =	vst v63  }
0xbd: {  	_ = 	snop  }
0xbe: {  	[tilespmem:s11], [sflag:$0x4] =	stream.indirect.gather [hbm4b:s4+s18], $0x80, s2, s18, $0xb8;
	[tilespmem:$0x18200] =	vst v63  }
0xbf: {  	_ = 	snop  }
0xc0: {  	[tilespmem:s22], [sflag:$0x2] =	stream.indirect.gather [hbm4b:s3+s18], $0x80, s18, s18, $0xb8;
	[tilespmem:$0x18200] =	vst v63  }
0xc1: {  	_ = 	snop  }
0xc2: {  	[tilespmem:s23], [sflag:$0x5] =	stream.indirect.gather [hbm4b:s4+s18], $0x80, s18, s18, $0xb8;
	[tilespmem:$0x18200] =	vst v63  }
0xc3: {  	_ =	swait.ge [sflag:s14], $0x4000  }
0xc4: {  	[sflag:s14] =	ssyncset.done $0x0  }
0xc5: {  	[sflag:s14] =	ssyncadd.s32 $0xFFFFC000  }
0xc6: {  	_ =	swait.ge [sflag:s13], $0x4000  }
0xc7: {  	[sflag:s13] =	ssyncset.done $0x0  }
0xc8: {  	s0 =	rddreg [dreg:$0x6];
	[sflag:s13] =	ssyncadd.s32 $0xFFFFC000  }
0xc9: {  	[hbm4b:s0+s2] =	stream.linear.scatter [tilespmem:s10], [sflag:$0x7], $0x4000, $0x38;
	[tilespmem:$0x18200] =	vst v63  }
0xca: {  	s31 =	rddreg [dreg:$0x7]  }
0xcb: {  	[hbm4b:s31+s2] =	stream.linear.scatter [tilespmem:s11], [sflag:$0xA], $0x4000, $0x38;
	[tilespmem:$0x18200] =	vst v63  }
0xcc: {  	_ = 	snop  }
0xcd: {  	[tilespmem:s19], [sflag:$0x3] =	stream.indirect.gather [hbm4b:s3+s18], $0x80, s29, s18, $0xb8;
	[tilespmem:$0x18200] =	vst v63  }
0xce: {  	_ = 	snop  }
0xcf: {  	[tilespmem:s20], [sflag:$0x6] =	stream.indirect.gather [hbm4b:s4+s18], $0x80, s29, s18, $0xb8;
	[tilespmem:$0x18200] =	vst v63  }
0xd0: {  	_ =	swait.ge [sflag:s30], $0x4000  }
0xd1: {  	[sflag:s30] =	ssyncset.done $0x0  }
0xd2: {  	[sflag:s30] =	ssyncadd.s32 $0xFFFFC000  }
0xd3: {  	_ =	swait.ge [sflag:s28], $0x4000  }
0xd4: {  	[sflag:s28] =	ssyncset.done $0x0  }
0xd5: {  	s29 =	rddreg [dreg:$0x8];
	[sflag:s28] =	ssyncadd.s32 $0xFFFFC000  }
0xd6: {  	[hbm4b:s29+s2] =	stream.linear.scatter [tilespmem:s22], [sflag:$0x8], $0x4000, $0x38;
	[tilespmem:$0x18200] =	vst v63  }
0xd7: {  	s30 =	rddreg [dreg:$0x9]  }
0xd8: {  	[hbm4b:s30+s2] =	stream.linear.scatter [tilespmem:s23], [sflag:$0xB], $0x4000, $0x38;
	[tilespmem:$0x18200] =	vst v63  }
0xd9: {  	_ =	swait.ge [sflag:s8], $0x4000  }
0xda: {  	[sflag:s8] =	ssyncset.done $0x0  }
0xdb: {  	[sflag:s8] =	ssyncadd.s32 $0xFFFFC000  }
0xdc: {  	_ =	swait.ge [sflag:s5], $0x4000  }
0xdd: {  	[sflag:s5] =	ssyncset.done $0x0  }
0xde: {  	[sflag:s5] =	ssyncadd.s32 $0xFFFFC000  }
0xdf: {  	[tilespmem:s10], [sflag:$0x1] =	stream.indirect.gather [hbm4b:s3+s18], $0x80, s25, s18, $0xb8;
	[tilespmem:$0x18200] =	vst v63  }
0xe0: {  	_ = 	snop  }
0xe1: {  	[tilespmem:s11], [sflag:$0x4] =	stream.indirect.gather [hbm4b:s4+s18], $0x80, s25, s18, $0xb8;
	[tilespmem:$0x18200] =	vst v63  }
0xe2: {  	_ =	swait.ge [sflag:s26], $0x4000  }
0xe3: {  	[sflag:s26] =	ssyncset.done $0x0  }
0xe4: {  	[sflag:s26] =	ssyncadd.s32 $0xFFFFC000  }
0xe5: {  	_ =	swait.ge [sflag:s24], $0x4000  }
0xe6: {  	[sflag:s24] =	ssyncset.done $0x0  }
0xe7: {  	[sflag:s24] =	ssyncadd.s32 $0xFFFFC000  }
0xe8: {  	[hbm4b:s9+s2] =	stream.linear.scatter [tilespmem:s19], [sflag:$0x9], $0x4000, $0x38;
	[tilespmem:$0x18200] =	vst v63  }
0xe9: {  	_ = 	snop  }
0xea: {  	[hbm4b:s12+s2] =	stream.linear.scatter [tilespmem:s20], [sflag:$0xC], $0x4000, $0x38;
	[tilespmem:$0x18200] =	vst v63  }
0xeb: {  	_ =	swait.ge [sflag:s14], $0x4000  }
0xec: {  	[sflag:s14] =	ssyncset.done $0x0  }
0xed: {  	[sflag:s14] =	ssyncadd.s32 $0xFFFFC000  }
0xee: {  	_ =	swait.ge [sflag:s13], $0x4000  }
0xef: {  	[sflag:s13] =	ssyncset.done $0x0  }
0xf0: {  	[sflag:s13] =	ssyncadd.s32 $0xFFFFC000  }
0xf1: {  	[hbm4b:s6+s2] =	stream.linear.scatter [tilespmem:s10], [sflag:$0x7], $0x4000, $0x38;
	[tilespmem:$0x18200] =	vst v63  }
0xf2: {  	_ = 	snop  }
0xf3: {  	[hbm4b:s7+s2] =	stream.linear.scatter [tilespmem:s11], [sflag:$0xA], $0x4000, $0x38;
	[tilespmem:$0x18200] =	vst v63  }
0xf4: {  	_ =	swait.ge [sflag:s21], $0x4000  }
0xf5: {  	[sflag:s21] =	ssyncset.done $0x0  }
0xf6: {  	[sflag:s21] =	ssyncadd.s32 $0xFFFFC000  }
0xf7: {  	_ =	swait.ge [sflag:s17], $0x4000  }
0xf8: {  	[sflag:s17] =	ssyncset.done $0x0  }
0xf9: {  	[sflag:s17] =	ssyncadd.s32 $0xFFFFC000  }
0xfa: {  	_ =	swait.ge [sflag:s16], $0x4000  }
0xfb: {  	[sflag:s16] =	ssyncset.done $0x0  }
0xfc: {  	[sflag:s16] =	ssyncadd.s32 $0xFFFFC000  }
0xfd: {  	_ =	swait.ge [sflag:s15], $0x4000  }
0xfe: {  	[sflag:s15] =	ssyncset.done $0x0  }
0xff: {  	[sflag:s15] =	ssyncadd.s32 $0xFFFFC000  }
0x100: {  	_ =	swait.ge [sflag:s8], $0x4000  }
0x101: {  	[sflag:s8] =	ssyncset.done $0x0  }
0x102: {  	[sflag:s8] =	ssyncadd.s32 $0xFFFFC000  }
0x103: {  	_ =	swait.ge [sflag:s5], $0x4000  }
0x104: {  	[sflag:s5] =	ssyncset.done $0x0  }
0x105: {  	[sflag:s5] =	ssyncadd.s32 $0xFFFFC000  }
0x106: {  	_ =	sfence.sel $0x180000  }
0x107: {  	[bflag:$0x0] =	sbarrier.arrive $0xFFFF  }
0x108: {  	_ =	strace $0x9000004A  }
0x109: {  	s31 =	stileid.u32;
	[bflag:$0x2] =	sbarrier.arrive $0xFFFF  }
0x10a: {  	p0 =	sne.s32 s31, $0x0;
	s0 =	rddreg [dreg:$0x4]  }
0x10b: {  	s0 =	sadd.s32 @!p0 $0x100000, s0  }
0x10c: {  	[sflag:s0] =	ssyncadd.tile.s32 @!p0 $0x1;
	_ =	shalt  }
.Lfunc_end2:
_tile_overlayer_lowered:
.L_overlay_start_2:
0x10d: {  	(tag) =	ssettag $0x2  }
0x10e: {  	s0 =	rddreg [dreg:$0x0];
	s2 =	stileid.u32  }
0x10f: {  	s1 =	rddreg [dreg:$0x1];
	p0 =	sne.s32 s2, $0x0  }
0x110: {  	s3 =	rddreg [dreg:$0x2];
	[bflag:$0x3] =	sbarrier.arrive $0xFFFF;
	s2 =	simm.s32 @!p0 $0x1C0D  }
0x111: {  	[timem:s3], [sflag:s2] =	dma.local @!p0 [hbm:s0], s1  }
0x112: {  	s0 =	simm.s32 @!p0 $0xD  }
0x113: {  	_ =	swait.ge @!p0 [sflag:s0], s1  }
0x114: {  	s1 =	ssub.s32 @!p0 $0x0, s1;
	[sflag:s0] =	ssyncset.done @!p0 $0x0  }
0x115: {  	[sflag:s0] =	ssyncadd.s32 @!p0 s1  }
0x116: {  	[bflag:$0x3] =	sbarrier.arrive $0xFFFF  }
0x117: {  	_ =	shalt  }

</sc_bundles>
